<compile_context>
chip_gen: v7x
topology: tpu7x:2x2x1
jax: 0.10.2.dev20260603
libtpu: 0.0.44.dev20260713+nightly
codegen_flags: <defaults>
</compile_context>

<pallas_src>
import functools

import jax
import jax.numpy as jnp
from jax import lax
from jax.experimental import pallas as pl
from jax.experimental.pallas import tpu as pltpu
from jax.experimental.pallas import tpu_sc as plsc

B = 4096
H = 1024
V = 1000
L = 8
EPS = 1e-5

VP = 1024
EMB0 = 8
UROW = EMB0 + VP
M = 5376
BM = 256

NC, NS = 2, 16
NW = NC * NS
BPW = B // NW
NPAIR = BPW // 2
NCHUNK = V // 16


def _tc1_body(x_ref, w_ref, gamma_ref, bias_ref, y_ref, stats_ref):
    i = pl.program_id(0)
    x = x_ref[...]
    rid = i * BM + lax.broadcasted_iota(jnp.int32, (BM, 1), 0)
    scale = jnp.where(rid == 1, 1.0, gamma_ref[...])
    y = lax.dot_general(x * scale, w_ref[...], (((1,), (1,)), ((), ())),
                        preferred_element_type=jnp.float32)
    y = y + jnp.where(rid == 1, bias_ref[...], 0.0)
    y_ref[...] = y
    mean = jnp.mean(x, axis=1, keepdims=True)
    msq = jnp.mean(x * x, axis=1, keepdims=True)
    stats_ref[...] = jnp.concatenate([mean, msq], axis=1)


def _tc2_body(h_ref, e_ref, p_ref):
    p_ref[...] = lax.dot_general(h_ref[...], e_ref[...], (((1,), (1,)), ((), ())),
                                 preferred_element_type=jnp.float32)


def _rsqrt16(x):
    i = plsc.bitcast(x, jnp.int32)
    y = plsc.bitcast(jnp.int32(0x5F3759DF) - (i >> 1), jnp.float32)
    for _ in range(4):
        y = y * (1.5 - 0.5 * x * y * y)
    return y


def _sc_body(y_hbm, p_hbm, stats_hbm, dec_hbm, out_hbm,
             dec_v, stats_v, muq_v, gc_v, a_v, u_v, p_v, o_v, in_sem):
    wid = lax.axis_index("s") * NC + lax.axis_index("c")
    b0 = wid * BPW
    pltpu.sync_copy(dec_hbm.at[pl.ds(b0 * L, BPW * L)], dec_v)
    pltpu.sync_copy(stats_hbm.at[pl.ds(0, EMB0 + VP)], stats_v)
    pltpu.sync_copy(stats_hbm.at[pl.ds(UROW + b0, BPW)], muq_v)
    pltpu.sync_copy(y_hbm.at[pl.ds(0, 2)], gc_v)

    lane = lax.iota(jnp.int32, 16)
    hi = lane >> 3
    zero16 = jnp.zeros((16,), jnp.int32)
    one16 = jnp.ones((16,), jnp.int32)

    def pair_body(k, carry):
        bg = b0 + 2 * k
        cp_a = pltpu.async_copy(y_hbm.at[dec_v.at[pl.ds(k * 16, 16)]],
                                a_v, in_sem)
        cp_u = pltpu.async_copy(y_hbm.at[pl.ds(UROW + bg, 2)], u_v, in_sem)
        cp_p = pltpu.async_copy(p_hbm.at[pl.ds(bg, 2)], p_v, in_sem)
        cp_a.wait()
        cp_u.wait()
        cp_p.wait()

        t16 = dec_v[pl.ds(k * 16, 16)]
        me = plsc.load_gather(stats_v, [t16, zero16])
        qe = plsc.load_gather(stats_v, [t16, one16])
        bl = 2 * k + hi
        mu = plsc.load_gather(muq_v, [bl, zero16])
        qu = plsc.load_gather(muq_v, [bl, one16])
        pc = plsc.load_gather(p_v, [hi, t16 - EMB0])
        mean = me + mu
        ex2 = qe + pc * (2.0 / H) + qu
        s1 = _rsqrt16(ex2 - mean * mean + EPS)
        s2 = -mean * s1
        s1l = [s1[l] for l in range(16)]
        s2l = [s2[l] for l in range(16)]

        def chunk(off):
            gv = gc_v[0, pl.ds(off, 16)]
            cv = gc_v[1, pl.ds(off, 16)]
            u0 = u_v[0, pl.ds(off, 16)]
            u1 = u_v[1, pl.ds(off, 16)]
            for l in range(16):
                av = a_v[l, pl.ds(off, 16)]
                uv = u0 if l < 8 else u1
                o_v[pl.ds(l * V + off, 16)] = (
                    s1l[l] * (av + uv) + s2l[l] * gv + cv)

        def cbody(j, c):
            chunk(j * 16)
            return c

        lax.fori_loop(0, NCHUNK, cbody, 0)
        chunk(V - 16)
        pltpu.sync_copy(o_v, out_hbm.at[pl.ds(bg * L * V, 2 * L * V)])
        return carry

    lax.fori_loop(0, NPAIR, pair_body, 0)


_tc1 = pl.pallas_call(
    _tc1_body,
    grid=(M // BM,),
    in_specs=[
        pl.BlockSpec((BM, H), lambda i: (i, 0)),
        pl.BlockSpec((VP, H), lambda i: (0, 0)),
        pl.BlockSpec((1, H), lambda i: (0, 0)),
        pl.BlockSpec((1, VP), lambda i: (0, 0)),
    ],
    out_specs=[
        pl.BlockSpec((BM, VP), lambda i: (i, 0)),
        pl.BlockSpec((BM, 2), lambda i: (i, 0)),
    ],
    out_shape=[
        jax.ShapeDtypeStruct((M, VP), jnp.float32),
        jax.ShapeDtypeStruct((M, 2), jnp.float32),
    ],
)

_tc2 = pl.pallas_call(
    _tc2_body,
    grid=(B // BM,),
    in_specs=[
        pl.BlockSpec((BM, H), lambda i: (i, 0)),
        pl.BlockSpec((VP, H), lambda i: (0, 0)),
    ],
    out_specs=pl.BlockSpec((BM, VP), lambda i: (i, 0)),
    out_shape=jax.ShapeDtypeStruct((B, VP), jnp.float32),
)

@functools.lru_cache(maxsize=1)
def _sc_combine():
    return functools.partial(
        pl.kernel,
        out_type=jax.ShapeDtypeStruct((B * L * V,), jnp.float32),
        mesh=plsc.VectorSubcoreMesh(core_axis_name="c", subcore_axis_name="s",
                                    num_cores=NC, num_subcores=NS),
        compiler_params=pltpu.CompilerParams(needs_layout_passes=False,
                                             use_tc_tiling_on_sc=False),
        scratch_types=[
            pltpu.VMEM((BPW * L,), jnp.int32),
            pltpu.VMEM((EMB0 + VP, 2), jnp.float32),
            pltpu.VMEM((BPW, 2), jnp.float32),
            pltpu.VMEM((2, VP), jnp.float32),
            pltpu.VMEM((16, VP), jnp.float32),
            pltpu.VMEM((2, VP), jnp.float32),
            pltpu.VMEM((2, VP), jnp.float32),
            pltpu.VMEM((2 * L * V,), jnp.float32),
            pltpu.SemaphoreType.DMA,
        ],
    )(_sc_body)


def kernel(hidden_states, target_sids, emb_table, ln_gamma, ln_beta, W, b):
    if hidden_states.ndim == 3:
        hidden_states = hidden_states[:, -1, :]
    f32 = jnp.float32
    hidden_states = hidden_states.astype(f32)
    emb_pad = jnp.zeros((VP, H), f32).at[: V + 1].set(emb_table.astype(f32))
    w_pad = jnp.zeros((VP, H), f32).at[:V].set(W.astype(f32))
    b_pad = jnp.zeros((1, VP), f32).at[0, :V].set(b.astype(f32))
    gamma = ln_gamma.astype(f32)[None]
    x = jnp.concatenate([
        jnp.ones((1, H), f32),
        ln_beta.astype(f32)[None],
        jnp.zeros((EMB0 - 2, H), f32),
        emb_pad,
        hidden_states,
        jnp.zeros((M - UROW - B, H), f32),
    ], axis=0)
    dec = jnp.concatenate(
        [jnp.full((B, 1), V, jnp.int32), target_sids[:, :-1].astype(jnp.int32)],
        axis=1) + EMB0
    y, stats = _tc1(x, w_pad, gamma, b_pad)
    p = _tc2(hidden_states, emb_pad)
    out = _sc_combine()(y * 1.0, p * 1.0, stats * 1.0, dec.reshape(-1))
    return out.reshape(B, L, V)

# --- scband reference (transcript-rebuilt; emitter-appended) ---
"""Pipeline reference for scband-retrieval-head-9423158247844 (READ-ONLY COPY).

The authoritative reference and input builder live on the scoring server;
editing this copy changes nothing except your own understanding.
"""

import jax, jax.numpy as jnp
import numpy as np

B = 4096
H = 1024
V = 1000
L = 8


def layer_norm(x, gamma, beta, eps=1e-5):
    mu = jnp.mean(x, axis=-1, keepdims=True)
    var = jnp.var(x, axis=-1, keepdims=True)
    xn = (x - mu) / jnp.sqrt(var + eps)
    return xn * gamma + beta


def setup_inputs(seed: int = 0) -> dict:
    key = jax.random.key(seed)
    k1, k2, k3, k4 = jax.random.split(key, 4)
    hidden_states = jax.random.normal(k1, (B, H), dtype=jnp.float32)
    target_sids = jax.random.randint(k2, (B, L), 0, V, dtype=jnp.int32)
    # learned params
    emb_table = jax.random.normal(k3, (V + 1, H), dtype=jnp.float32) * 0.02  # sid_embedding (V+1 rows incl. BOS)
    ln_gamma = jnp.ones((H,), dtype=jnp.float32)
    ln_beta = jnp.zeros((H,), dtype=jnp.float32)
    W = jax.random.normal(k4, (V, H), dtype=jnp.float32) * (1.0 / np.sqrt(H))
    b = jnp.zeros((V,), dtype=jnp.float32)
    return {
        "hidden_states": hidden_states,
        "target_sids": target_sids,
        "emb_table": emb_table,
        "ln_gamma": ln_gamma,
        "ln_beta": ln_beta,
        "W": W,
        "b": b,
    }


def reference(hidden_states, target_sids, emb_table, ln_gamma, ln_beta, W, b):
    # user_repr: last position if 3D, else the 2D hidden directly
    if hidden_states.ndim == 3:
        user_repr = hidden_states[:, -1, :]
    else:
        user_repr = hidden_states
    Bsz = user_repr.shape[0]
    # teacher forcing: prepend BOS (= sid_vocab_size), drop last target token
    bos = jnp.full((Bsz, 1), V, dtype=target_sids.dtype)
    decoder_input = jnp.concatenate([bos, target_sids[:, :-1]], axis=1)  # (B, L)
    # embedding gather (SparseCore-friendly)
    input_emb = jnp.take(emb_table, decoder_input, axis=0)  # (B, L, H)
    input_emb = input_emb + user_repr[:, None, :]
    # output projection: LayerNorm -> Linear
    h = layer_norm(input_emb, ln_gamma, ln_beta)
    logits = jnp.einsum('blh,vh->blv', h, W) + b  # (B, L, V)
    return logits

if __name__ == "__main__":
    import jax
    _d = setup_inputs()
    print(jax.jit(kernel)(*tuple(_d.values())))

</pallas_src>

<mosaic_0001>
#map = affine_map<(d0, d1) -> (0, 0)>
#map1 = affine_map<(d0, d1) -> (0)>
module attributes {stable_mosaic.version = 14 : i64} {
  func.func @_sc_body(%arg0: i32, %arg1: i32, %arg2: memref<5376x1024xf32, #tpu.memory_space<hbm>>, %arg3: memref<4096x1024xf32, #tpu.memory_space<hbm>>, %arg4: memref<5376x2xf32, #tpu.memory_space<hbm>>, %arg5: memref<32768xi32, #tpu.memory_space<hbm>>, %arg6: memref<32768000xf32, #tpu.memory_space<hbm>>, %arg7: memref<1024xi32, #tpu.memory_space<vmem>>, %arg8: memref<1032x2xf32, #tpu.memory_space<vmem>>, %arg9: memref<128x2xf32, #tpu.memory_space<vmem>>, %arg10: memref<2x1024xf32, #tpu.memory_space<vmem>>, %arg11: memref<16x1024xf32, #tpu.memory_space<vmem>>, %arg12: memref<2x1024xf32, #tpu.memory_space<vmem>>, %arg13: memref<2x1024xf32, #tpu.memory_space<vmem>>, %arg14: memref<16000xf32, #tpu.memory_space<vmem>>, %arg15: memref<!tpu.dma_semaphore, #tpu.memory_space<semaphore_mem>>) attributes {dimension_semantics = [#tpu.dimension_semantics<core_parallel>, #tpu.dimension_semantics<subcore_parallel>], iteration_bounds = array<i64: 2, 16>, scalar_prefetch = 0 : i64, scratch_operands = 9 : i64, tpu.core_type = #tpu.core_type<sc_vector_subcore>, window_params = [{transform_indices = #map}, {transform_indices = #map}, {transform_indices = #map}, {transform_indices = #map1}, {transform_indices = #map1}]} {
    %mul3A = arith.constant 2 : i32
    %mul3A_0 = arith.muli %arg1, %mul3A : i32
    %add3A = arith.addi %mul3A_0, %arg0 : i32
    %mul3A_1 = arith.constant 128 : i32
    %mul3A_2 = arith.muli %add3A, %mul3A_1 : i32
    %mul3A_3 = arith.constant 8 : i32
    %mul3A_4 = arith.muli %mul3A_2, %mul3A_3 : i32
    "tpu.region"() ({
      %run_scoped3A = tpu.sem_alloc : memref<!tpu.dma_semaphore, #tpu.memory_space<semaphore_mem>>
      %dma_start3A = tpu.memref_slice %arg5[%mul3A_4] : memref<32768xi32, #tpu.memory_space<hbm>> -> memref<1024xi32, #tpu.memory_space<hbm>>
      %dma_start3A_17 = tpu.memref_slice %arg5[%mul3A_4] : memref<32768xi32, #tpu.memory_space<hbm>> -> memref<1024xi32, #tpu.memory_space<hbm>>
      tpu.enqueue_dma source(%dma_start3A_17 : memref<1024xi32, #tpu.memory_space<hbm>>) target(%arg7 : memref<1024xi32, #tpu.memory_space<vmem>>) target_semaphore(%run_scoped3A : memref<!tpu.dma_semaphore, #tpu.memory_space<semaphore_mem>>)
      %dma_wait3A = tpu.memref_slice %arg5[%mul3A_4] : memref<32768xi32, #tpu.memory_space<hbm>> -> memref<1024xi32, #tpu.memory_space<hbm>>
      %dma_wait3A_18 = tpu.memref_slice %arg5[%mul3A_4] : memref<32768xi32, #tpu.memory_space<hbm>> -> memref<1024xi32, #tpu.memory_space<hbm>>
      tpu.wait_dma2 semaphore(%run_scoped3A : memref<!tpu.dma_semaphore, #tpu.memory_space<semaphore_mem>>) src(%dma_wait3A_18 : memref<1024xi32, #tpu.memory_space<hbm>>) dst(%arg7 : memref<1024xi32, #tpu.memory_space<vmem>>)
      tpu.yield
    }) : () -> ()
    "tpu.region"() ({
      %run_scoped3A = tpu.sem_alloc : memref<!tpu.dma_semaphore, #tpu.memory_space<semaphore_mem>>
      %dma_start3A = arith.constant 0 : i32
      %dma_start3A_17 = arith.constant 0 : i32
      %dma_start3A_18 = tpu.memref_slice %arg4[%dma_start3A, %dma_start3A_17] : memref<5376x2xf32, #tpu.memory_space<hbm>> -> memref<1032x2xf32, #tpu.memory_space<hbm>>
      %dma_start3A_19 = arith.constant 0 : i32
      %dma_start3A_20 = arith.constant 0 : i32
      %dma_start3A_21 = tpu.memref_slice %arg4[%dma_start3A_19, %dma_start3A_20] : memref<5376x2xf32, #tpu.memory_space<hbm>> -> memref<1032x2xf32, #tpu.memory_space<hbm>>
      tpu.enqueue_dma source(%dma_start3A_21 : memref<1032x2xf32, #tpu.memory_space<hbm>>) target(%arg8 : memref<1032x2xf32, #tpu.memory_space<vmem>>) target_semaphore(%run_scoped3A : memref<!tpu.dma_semaphore, #tpu.memory_space<semaphore_mem>>)
      %dma_wait3A = arith.constant 0 : i32
      %dma_wait3A_22 = arith.constant 0 : i32
      %dma_wait3A_23 = tpu.memref_slice %arg4[%dma_wait3A, %dma_wait3A_22] : memref<5376x2xf32, #tpu.memory_space<hbm>> -> memref<1032x2xf32, #tpu.memory_space<hbm>>
      %dma_wait3A_24 = arith.constant 0 : i32
      %dma_wait3A_25 = arith.constant 0 : i32
      %dma_wait3A_26 = tpu.memref_slice %arg4[%dma_wait3A_24, %dma_wait3A_25] : memref<5376x2xf32, #tpu.memory_space<hbm>> -> memref<1032x2xf32, #tpu.memory_space<hbm>>
      tpu.wait_dma2 semaphore(%run_scoped3A : memref<!tpu.dma_semaphore, #tpu.memory_space<semaphore_mem>>) src(%dma_wait3A_26 : memref<1032x2xf32, #tpu.memory_space<hbm>>) dst(%arg8 : memref<1032x2xf32, #tpu.memory_space<vmem>>)
      tpu.yield
    }) : () -> ()
    %add3A_5 = arith.constant 1032 : i32
    %add3A_6 = arith.addi %add3A_5, %mul3A_2 : i32
    "tpu.region"() ({
      %run_scoped3A = tpu.sem_alloc : memref<!tpu.dma_semaphore, #tpu.memory_space<semaphore_mem>>
      %dma_start3A = arith.constant 0 : i32
      %dma_start3A_17 = tpu.memref_slice %arg4[%add3A_6, %dma_start3A] : memref<5376x2xf32, #tpu.memory_space<hbm>> -> memref<128x2xf32, #tpu.memory_space<hbm>>
      %dma_start3A_18 = arith.constant 0 : i32
      %dma_start3A_19 = tpu.memref_slice %arg4[%add3A_6, %dma_start3A_18] : memref<5376x2xf32, #tpu.memory_space<hbm>> -> memref<128x2xf32, #tpu.memory_space<hbm>>
      tpu.enqueue_dma source(%dma_start3A_19 : memref<128x2xf32, #tpu.memory_space<hbm>>) target(%arg9 : memref<128x2xf32, #tpu.memory_space<vmem>>) target_semaphore(%run_scoped3A : memref<!tpu.dma_semaphore, #tpu.memory_space<semaphore_mem>>)
      %dma_wait3A = arith.constant 0 : i32
      %dma_wait3A_20 = tpu.memref_slice %arg4[%add3A_6, %dma_wait3A] : memref<5376x2xf32, #tpu.memory_space<hbm>> -> memref<128x2xf32, #tpu.memory_space<hbm>>
      %dma_wait3A_21 = arith.constant 0 : i32
      %dma_wait3A_22 = tpu.memref_slice %arg4[%add3A_6, %dma_wait3A_21] : memref<5376x2xf32, #tpu.memory_space<hbm>> -> memref<128x2xf32, #tpu.memory_space<hbm>>
      tpu.wait_dma2 semaphore(%run_scoped3A : memref<!tpu.dma_semaphore, #tpu.memory_space<semaphore_mem>>) src(%dma_wait3A_22 : memref<128x2xf32, #tpu.memory_space<hbm>>) dst(%arg9 : memref<128x2xf32, #tpu.memory_space<vmem>>)
      tpu.yield
    }) : () -> ()
    "tpu.region"() ({
      %run_scoped3A = tpu.sem_alloc : memref<!tpu.dma_semaphore, #tpu.memory_space<semaphore_mem>>
      %dma_start3A = arith.constant 0 : i32
      %dma_start3A_17 = arith.constant 0 : i32
      %dma_start3A_18 = tpu.memref_slice %arg2[%dma_start3A, %dma_start3A_17] : memref<5376x1024xf32, #tpu.memory_space<hbm>> -> memref<2x1024xf32, #tpu.memory_space<hbm>>
      %dma_start3A_19 = arith.constant 0 : i32
      %dma_start3A_20 = arith.constant 0 : i32
      %dma_start3A_21 = tpu.memref_slice %arg2[%dma_start3A_19, %dma_start3A_20] : memref<5376x1024xf32, #tpu.memory_space<hbm>> -> memref<2x1024xf32, #tpu.memory_space<hbm>>
      tpu.enqueue_dma source(%dma_start3A_21 : memref<2x1024xf32, #tpu.memory_space<hbm>>) target(%arg10 : memref<2x1024xf32, #tpu.memory_space<vmem>>) target_semaphore(%run_scoped3A : memref<!tpu.dma_semaphore, #tpu.memory_space<semaphore_mem>>)
      %dma_wait3A = arith.constant 0 : i32
      %dma_wait3A_22 = arith.constant 0 : i32
      %dma_wait3A_23 = tpu.memref_slice %arg2[%dma_wait3A, %dma_wait3A_22] : memref<5376x1024xf32, #tpu.memory_space<hbm>> -> memref<2x1024xf32, #tpu.memory_space<hbm>>
      %dma_wait3A_24 = arith.constant 0 : i32
      %dma_wait3A_25 = arith.constant 0 : i32
      %dma_wait3A_26 = tpu.memref_slice %arg2[%dma_wait3A_24, %dma_wait3A_25] : memref<5376x1024xf32, #tpu.memory_space<hbm>> -> memref<2x1024xf32, #tpu.memory_space<hbm>>
      tpu.wait_dma2 semaphore(%run_scoped3A : memref<!tpu.dma_semaphore, #tpu.memory_space<semaphore_mem>>) src(%dma_wait3A_26 : memref<2x1024xf32, #tpu.memory_space<hbm>>) dst(%arg10 : memref<2x1024xf32, #tpu.memory_space<vmem>>)
      tpu.yield
    }) : () -> ()
    %iota3A = tpu.iota {dimensions = array<i32: 0>} : vector<16xi32>
    %shift_right_arithmetic3A = arith.constant 3 : i32
    %shift_right_arithmetic3A_7 = vector.broadcast %shift_right_arithmetic3A : i32 to vector<16xi32>
    %shift_right_arithmetic3A_8 = arith.shrsi %iota3A, %shift_right_arithmetic3A_7 : vector<16xi32>
    %broadcast_in_dim3A = arith.constant 0 : i32
    %broadcast_in_dim3A_9 = vector.broadcast %broadcast_in_dim3A : i32 to vector<16xi32>
    %broadcast_in_dim3A_10 = arith.constant 1 : i32
    %broadcast_in_dim3A_11 = vector.broadcast %broadcast_in_dim3A_10 : i32 to vector<16xi32>
    %scan3A = arith.constant 0 : i32
    %scan3A_12 = arith.constant 0 : i32
    %scan3A_13 = arith.constant 64 : i32
    %scan3A_14 = arith.addi %scan3A_12, %scan3A_13 : i32
    %scan3A_15 = arith.constant 1 : i32
    scf.for %scan3A_17 = %scan3A_12 to %scan3A_14 step %scan3A_15  : i32 {
      %mul3A_18 = arith.constant 2 : i32
      %mul3A_19 = arith.muli %mul3A_18, %scan3A_17 : i32
      %add3A_20 = arith.addi %mul3A_2, %mul3A_19 : i32
      %mul3A_21 = arith.constant 16 : i32
      %mul3A_22 = arith.muli %scan3A_17, %mul3A_21 : i32
      %dma_start3A = tpu.memref_slice %arg7[%mul3A_22] : memref<1024xi32, #tpu.memory_space<vmem>> -> memref<16xi32, #tpu.memory_space<vmem>>
      %dma_start3A_23 = arith.constant 0 : i32
      %dma_start3A_24 = arith.constant 0 : i32
      %dma_start3A_25 = tpu.memref_slice %arg2[%dma_start3A_23, %dma_start3A_24] : memref<5376x1024xf32, #tpu.memory_space<hbm>> -> memref<5376x1024xf32, #tpu.memory_space<hbm>>
      tpu.enqueue_indirect_dma source(%dma_start3A_25 : memref<5376x1024xf32, #tpu.memory_space<hbm>>) target(%arg11 : memref<16x1024xf32, #tpu.memory_space<vmem>>) offsets(%dma_start3A : memref<16xi32, #tpu.memory_space<vmem>>) semaphore(%arg15 : memref<!tpu.dma_semaphore, #tpu.memory_space<semaphore_mem>>)
      %add3A_26 = arith.constant 1032 : i32
      %add3A_27 = arith.addi %add3A_26, %add3A_20 : i32
      %dma_start3A_28 = arith.constant 0 : i32
      %dma_start3A_29 = tpu.memref_slice %arg2[%add3A_27, %dma_start3A_28] : memref<5376x1024xf32, #tpu.memory_space<hbm>> -> memref<2x1024xf32, #tpu.memory_space<hbm>>
      %dma_start3A_30 = arith.constant 0 : i32
      %dma_start3A_31 = tpu.memref_slice %arg2[%add3A_27, %dma_start3A_30] : memref<5376x1024xf32, #tpu.memory_space<hbm>> -> memref<2x1024xf32, #tpu.memory_space<hbm>>
      tpu.enqueue_dma source(%dma_start3A_31 : memref<2x1024xf32, #tpu.memory_space<hbm>>) target(%arg12 : memref<2x1024xf32, #tpu.memory_space<vmem>>) target_semaphore(%arg15 : memref<!tpu.dma_semaphore, #tpu.memory_space<semaphore_mem>>)
      %dma_start3A_32 = arith.constant 0 : i32
      %dma_start3A_33 = tpu.memref_slice %arg3[%add3A_20, %dma_start3A_32] : memref<4096x1024xf32, #tpu.memory_space<hbm>> -> memref<2x1024xf32, #tpu.memory_space<hbm>>
      %dma_start3A_34 = arith.constant 0 : i32
      %dma_start3A_35 = tpu.memref_slice %arg3[%add3A_20, %dma_start3A_34] : memref<4096x1024xf32, #tpu.memory_space<hbm>> -> memref<2x1024xf32, #tpu.memory_space<hbm>>
      tpu.enqueue_dma source(%dma_start3A_35 : memref<2x1024xf32, #tpu.memory_space<hbm>>) target(%arg13 : memref<2x1024xf32, #tpu.memory_space<vmem>>) target_semaphore(%arg15 : memref<!tpu.dma_semaphore, #tpu.memory_space<semaphore_mem>>)
      %dma_wait3A = tpu.memref_slice %arg7[%mul3A_22] : memref<1024xi32, #tpu.memory_space<vmem>> -> memref<16xi32, #tpu.memory_space<vmem>>
      %dma_wait3A_36 = arith.constant 0 : i32
      %dma_wait3A_37 = arith.constant 0 : i32
      %dma_wait3A_38 = tpu.memref_slice %arg2[%dma_wait3A_36, %dma_wait3A_37] : memref<5376x1024xf32, #tpu.memory_space<hbm>> -> memref<5376x1024xf32, #tpu.memory_space<hbm>>
      tpu.wait_indirect_dma semaphore(%arg15 : memref<!tpu.dma_semaphore, #tpu.memory_space<semaphore_mem>>) src(%dma_wait3A_38 : memref<5376x1024xf32, #tpu.memory_space<hbm>>) dst(%arg11 : memref<16x1024xf32, #tpu.memory_space<vmem>>)
      %dma_wait3A_39 = arith.constant 0 : i32
      %dma_wait3A_40 = tpu.memref_slice %arg2[%add3A_27, %dma_wait3A_39] : memref<5376x1024xf32, #tpu.memory_space<hbm>> -> memref<2x1024xf32, #tpu.memory_space<hbm>>
      %dma_wait3A_41 = arith.constant 0 : i32
      %dma_wait3A_42 = tpu.memref_slice %arg2[%add3A_27, %dma_wait3A_41] : memref<5376x1024xf32, #tpu.memory_space<hbm>> -> memref<2x1024xf32, #tpu.memory_space<hbm>>
      tpu.wait_dma2 semaphore(%arg15 : memref<!tpu.dma_semaphore, #tpu.memory_space<semaphore_mem>>) src(%dma_wait3A_42 : memref<2x1024xf32, #tpu.memory_space<hbm>>) dst(%arg12 : memref<2x1024xf32, #tpu.memory_space<vmem>>)
      %dma_wait3A_43 = arith.constant 0 : i32
      %dma_wait3A_44 = tpu.memref_slice %arg3[%add3A_20, %dma_wait3A_43] : memref<4096x1024xf32, #tpu.memory_space<hbm>> -> memref<2x1024xf32, #tpu.memory_space<hbm>>
      %dma_wait3A_45 = arith.constant 0 : i32
      %dma_wait3A_46 = tpu.memref_slice %arg3[%add3A_20, %dma_wait3A_45] : memref<4096x1024xf32, #tpu.memory_space<hbm>> -> memref<2x1024xf32, #tpu.memory_space<hbm>>
      tpu.wait_dma2 semaphore(%arg15 : memref<!tpu.dma_semaphore, #tpu.memory_space<semaphore_mem>>) src(%dma_wait3A_46 : memref<2x1024xf32, #tpu.memory_space<hbm>>) dst(%arg13 : memref<2x1024xf32, #tpu.memory_space<vmem>>)
      %mul3A_47 = arith.constant 16 : i32
      %mul3A_48 = arith.muli %scan3A_17, %mul3A_47 : i32
      %get3A = arith.index_cast %mul3A_48 : i32 to index
      %get3A_49 = tpu.vector_load %arg7[%get3A] {strides = array<i32>} : memref<1024xi32, #tpu.memory_space<vmem>>, vector<16xi32>,
      %gather3A = tpu.vector_load_idx %arg8[%get3A_49, %broadcast_in_dim3A_9] : memref<1032x2xf32, #tpu.memory_space<vmem>>[vector<16xi32>, vector<16xi32>], vector<16xf32>,
      %gather3A_50 = tpu.vector_load_idx %arg8[%get3A_49, %broadcast_in_dim3A_11] : memref<1032x2xf32, #tpu.memory_space<vmem>>[vector<16xi32>, vector<16xi32>], vector<16xf32>,
      %mul3A_51 = arith.constant 2 : i32
      %mul3A_52 = arith.muli %mul3A_51, %scan3A_17 : i32
      %add3A_53 = vector.broadcast %mul3A_52 : i32 to vector<16xi32>
      %add3A_54 = arith.addi %add3A_53, %shift_right_arithmetic3A_8 : vector<16xi32>
      %gather3A_55 = tpu.vector_load_idx %arg9[%add3A_54, %broadcast_in_dim3A_9] : memref<128x2xf32, #tpu.memory_space<vmem>>[vector<16xi32>, vector<16xi32>], vector<16xf32>,
      %gather3A_56 = tpu.vector_load_idx %arg9[%add3A_54, %broadcast_in_dim3A_11] : memref<128x2xf32, #tpu.memory_space<vmem>>[vector<16xi32>, vector<16xi32>], vector<16xf32>,
      %sub3A = arith.constant 8 : i32
      %sub3A_57 = vector.broadcast %sub3A : i32 to vector<16xi32>
      %sub3A_58 = arith.subi %get3A_49, %sub3A_57 : vector<16xi32>
      %gather3A_59 = tpu.vector_load_idx %arg13[%shift_right_arithmetic3A_8, %sub3A_58] : memref<2x1024xf32, #tpu.memory_space<vmem>>[vector<16xi32>, vector<16xi32>], vector<16xf32>,
      %add3A_60 = arith.addf %gather3A, %gather3A_55 : vector<16xf32>
      %mul3A_61 = arith.constant 0.001953125 : f32
      %mul3A_62 = vector.broadcast %mul3A_61 : f32 to vector<16xf32>
      %mul3A_63 = arith.mulf %gather3A_59, %mul3A_62 : vector<16xf32>
      %add3A_64 = arith.addf %gather3A_50, %mul3A_63 : vector<16xf32>
      %add3A_65 = arith.addf %add3A_64, %gather3A_56 : vector<16xf32>
      %mul3A_66 = arith.mulf %add3A_60, %add3A_60 : vector<16xf32>
      %sub3A_67 = arith.subf %add3A_65, %mul3A_66 : vector<16xf32>
      %add3A_68 = arith.constant 9.99999974E-6 : f32
      %add3A_69 = vector.broadcast %add3A_68 : f32 to vector<16xf32>
      %add3A_70 = arith.addf %sub3A_67, %add3A_69 : vector<16xf32>
      %bitcast3A = vector.bitcast %add3A_70 : vector<16xf32> to vector<16xi32>
      %shift_right_arithmetic3A_71 = arith.constant 1 : i32
      %shift_right_arithmetic3A_72 = vector.broadcast %shift_right_arithmetic3A_71 : i32 to vector<16xi32>
      %shift_right_arithmetic3A_73 = arith.shrsi %bitcast3A, %shift_right_arithmetic3A_72 : vector<16xi32>
      %sub3A_74 = arith.constant 1597463007 : i32
      %sub3A_75 = vector.broadcast %sub3A_74 : i32 to vector<16xi32>
      %sub3A_76 = arith.subi %sub3A_75, %shift_right_arithmetic3A_73 : vector<16xi32>
      %bitcast3A_77 = vector.bitcast %sub3A_76 : vector<16xi32> to vector<16xf32>
      %mul3A_78 = arith.constant 5.000000e-01 : f32
      %mul3A_79 = vector.broadcast %mul3A_78 : f32 to vector<16xf32>
      %mul3A_80 = arith.mulf %mul3A_79, %add3A_70 : vector<16xf32>
      %mul3A_81 = arith.mulf %mul3A_80, %bitcast3A_77 : vector<16xf32>
      %mul3A_82 = arith.mulf %mul3A_81, %bitcast3A_77 : vector<16xf32>
      %sub3A_83 = arith.constant 1.500000e+00 : f32
      %sub3A_84 = vector.broadcast %sub3A_83 : f32 to vector<16xf32>
      %sub3A_85 = arith.subf %sub3A_84, %mul3A_82 : vector<16xf32>
      %mul3A_86 = arith.mulf %bitcast3A_77, %sub3A_85 : vector<16xf32>
      %mul3A_87 = arith.constant 5.000000e-01 : f32
      %mul3A_88 = vector.broadcast %mul3A_87 : f32 to vector<16xf32>
      %mul3A_89 = arith.mulf %mul3A_88, %add3A_70 : vector<16xf32>
      %mul3A_90 = arith.mulf %mul3A_89, %mul3A_86 : vector<16xf32>
      %mul3A_91 = arith.mulf %mul3A_90, %mul3A_86 : vector<16xf32>
      %sub3A_92 = arith.constant 1.500000e+00 : f32
      %sub3A_93 = vector.broadcast %sub3A_92 : f32 to vector<16xf32>
      %sub3A_94 = arith.subf %sub3A_93, %mul3A_91 : vector<16xf32>
      %mul3A_95 = arith.mulf %mul3A_86, %sub3A_94 : vector<16xf32>
      %mul3A_96 = arith.constant 5.000000e-01 : f32
      %mul3A_97 = vector.broadcast %mul3A_96 : f32 to vector<16xf32>
      %mul3A_98 = arith.mulf %mul3A_97, %add3A_70 : vector<16xf32>
      %mul3A_99 = arith.mulf %mul3A_98, %mul3A_95 : vector<16xf32>
      %mul3A_100 = arith.mulf %mul3A_99, %mul3A_95 : vector<16xf32>
      %sub3A_101 = arith.constant 1.500000e+00 : f32
      %sub3A_102 = vector.broadcast %sub3A_101 : f32 to vector<16xf32>
      %sub3A_103 = arith.subf %sub3A_102, %mul3A_100 : vector<16xf32>
      %mul3A_104 = arith.mulf %mul3A_95, %sub3A_103 : vector<16xf32>
      %mul3A_105 = arith.constant 5.000000e-01 : f32
      %mul3A_106 = vector.broadcast %mul3A_105 : f32 to vector<16xf32>
      %mul3A_107 = arith.mulf %mul3A_106, %add3A_70 : vector<16xf32>
      %mul3A_108 = arith.mulf %mul3A_107, %mul3A_104 : vector<16xf32>
      %mul3A_109 = arith.mulf %mul3A_108, %mul3A_104 : vector<16xf32>
      %sub3A_110 = arith.constant 1.500000e+00 : f32
      %sub3A_111 = vector.broadcast %sub3A_110 : f32 to vector<16xf32>
      %sub3A_112 = arith.subf %sub3A_111, %mul3A_109 : vector<16xf32>
      %mul3A_113 = arith.mulf %mul3A_104, %sub3A_112 : vector<16xf32>
      %neg3A = arith.constant 0.000000e+00 : f32
      %neg3A_114 = vector.broadcast %neg3A : f32 to vector<16xf32>
      %neg3A_115 = arith.subf %neg3A_114, %add3A_60 : vector<16xf32>
      %mul3A_116 = arith.mulf %neg3A_115, %mul3A_113 : vector<16xf32>
      %slice3A = vector.extract_strided_slice %mul3A_113 {offsets = [0], sizes = [1], strides = [1]} : vector<16xf32> to vector<1xf32>
      %squeeze3A = vector.extract %slice3A[0] : f32 from vector<1xf32>
      %slice3A_117 = vector.extract_strided_slice %mul3A_113 {offsets = [1], sizes = [1], strides = [1]} : vector<16xf32> to vector<1xf32>
      %squeeze3A_118 = vector.extract %slice3A_117[0] : f32 from vector<1xf32>
      %slice3A_119 = vector.extract_strided_slice %mul3A_113 {offsets = [2], sizes = [1], strides = [1]} : vector<16xf32> to vector<1xf32>
      %squeeze3A_120 = vector.extract %slice3A_119[0] : f32 from vector<1xf32>
      %slice3A_121 = vector.extract_strided_slice %mul3A_113 {offsets = [3], sizes = [1], strides = [1]} : vector<16xf32> to vector<1xf32>
      %squeeze3A_122 = vector.extract %slice3A_121[0] : f32 from vector<1xf32>
      %slice3A_123 = vector.extract_strided_slice %mul3A_113 {offsets = [4], sizes = [1], strides = [1]} : vector<16xf32> to vector<1xf32>
      %squeeze3A_124 = vector.extract %slice3A_123[0] : f32 from vector<1xf32>
      %slice3A_125 = vector.extract_strided_slice %mul3A_113 {offsets = [5], sizes = [1], strides = [1]} : vector<16xf32> to vector<1xf32>
      %squeeze3A_126 = vector.extract %slice3A_125[0] : f32 from vector<1xf32>
      %slice3A_127 = vector.extract_strided_slice %mul3A_113 {offsets = [6], sizes = [1], strides = [1]} : vector<16xf32> to vector<1xf32>
      %squeeze3A_128 = vector.extract %slice3A_127[0] : f32 from vector<1xf32>
      %slice3A_129 = vector.extract_strided_slice %mul3A_113 {offsets = [7], sizes = [1], strides = [1]} : vector<16xf32> to vector<1xf32>
      %squeeze3A_130 = vector.extract %slice3A_129[0] : f32 from vector<1xf32>
      %slice3A_131 = vector.extract_strided_slice %mul3A_113 {offsets = [8], sizes = [1], strides = [1]} : vector<16xf32> to vector<1xf32>
      %squeeze3A_132 = vector.extract %slice3A_131[0] : f32 from vector<1xf32>
      %slice3A_133 = vector.extract_strided_slice %mul3A_113 {offsets = [9], sizes = [1], strides = [1]} : vector<16xf32> to vector<1xf32>
      %squeeze3A_134 = vector.extract %slice3A_133[0] : f32 from vector<1xf32>
      %slice3A_135 = vector.extract_strided_slice %mul3A_113 {offsets = [10], sizes = [1], strides = [1]} : vector<16xf32> to vector<1xf32>
      %squeeze3A_136 = vector.extract %slice3A_135[0] : f32 from vector<1xf32>
      %slice3A_137 = vector.extract_strided_slice %mul3A_113 {offsets = [11], sizes = [1], strides = [1]} : vector<16xf32> to vector<1xf32>
      %squeeze3A_138 = vector.extract %slice3A_137[0] : f32 from vector<1xf32>
      %slice3A_139 = vector.extract_strided_slice %mul3A_113 {offsets = [12], sizes = [1], strides = [1]} : vector<16xf32> to vector<1xf32>
      %squeeze3A_140 = vector.extract %slice3A_139[0] : f32 from vector<1xf32>
      %slice3A_141 = vector.extract_strided_slice %mul3A_113 {offsets = [13], sizes = [1], strides = [1]} : vector<16xf32> to vector<1xf32>
      %squeeze3A_142 = vector.extract %slice3A_141[0] : f32 from vector<1xf32>
      %slice3A_143 = vector.extract_strided_slice %mul3A_113 {offsets = [14], sizes = [1], strides = [1]} : vector<16xf32> to vector<1xf32>
      %squeeze3A_144 = vector.extract %slice3A_143[0] : f32 from vector<1xf32>
      %slice3A_145 = vector.extract_strided_slice %mul3A_113 {offsets = [15], sizes = [1], strides = [1]} : vector<16xf32> to vector<1xf32>
      %squeeze3A_146 = vector.extract %slice3A_145[0] : f32 from vector<1xf32>
      %slice3A_147 = vector.extract_strided_slice %mul3A_116 {offsets = [0], sizes = [1], strides = [1]} : vector<16xf32> to vector<1xf32>
      %squeeze3A_148 = vector.extract %slice3A_147[0] : f32 from vector<1xf32>
      %slice3A_149 = vector.extract_strided_slice %mul3A_116 {offsets = [1], sizes = [1], strides = [1]} : vector<16xf32> to vector<1xf32>
      %squeeze3A_150 = vector.extract %slice3A_149[0] : f32 from vector<1xf32>
      %slice3A_151 = vector.extract_strided_slice %mul3A_116 {offsets = [2], sizes = [1], strides = [1]} : vector<16xf32> to vector<1xf32>
      %squeeze3A_152 = vector.extract %slice3A_151[0] : f32 from vector<1xf32>
      %slice3A_153 = vector.extract_strided_slice %mul3A_116 {offsets = [3], sizes = [1], strides = [1]} : vector<16xf32> to vector<1xf32>
      %squeeze3A_154 = vector.extract %slice3A_153[0] : f32 from vector<1xf32>
      %slice3A_155 = vector.extract_strided_slice %mul3A_116 {offsets = [4], sizes = [1], strides = [1]} : vector<16xf32> to vector<1xf32>
      %squeeze3A_156 = vector.extract %slice3A_155[0] : f32 from vector<1xf32>
      %slice3A_157 = vector.extract_strided_slice %mul3A_116 {offsets = [5], sizes = [1], strides = [1]} : vector<16xf32> to vector<1xf32>
      %squeeze3A_158 = vector.extract %slice3A_157[0] : f32 from vector<1xf32>
      %slice3A_159 = vector.extract_strided_slice %mul3A_116 {offsets = [6], sizes = [1], strides = [1]} : vector<16xf32> to vector<1xf32>
      %squeeze3A_160 = vector.extract %slice3A_159[0] : f32 from vector<1xf32>
      %slice3A_161 = vector.extract_strided_slice %mul3A_116 {offsets = [7], sizes = [1], strides = [1]} : vector<16xf32> to vector<1xf32>
      %squeeze3A_162 = vector.extract %slice3A_161[0] : f32 from vector<1xf32>
      %slice3A_163 = vector.extract_strided_slice %mul3A_116 {offsets = [8], sizes = [1], strides = [1]} : vector<16xf32> to vector<1xf32>
      %squeeze3A_164 = vector.extract %slice3A_163[0] : f32 from vector<1xf32>
      %slice3A_165 = vector.extract_strided_slice %mul3A_116 {offsets = [9], sizes = [1], strides = [1]} : vector<16xf32> to vector<1xf32>
      %squeeze3A_166 = vector.extract %slice3A_165[0] : f32 from vector<1xf32>
      %slice3A_167 = vector.extract_strided_slice %mul3A_116 {offsets = [10], sizes = [1], strides = [1]} : vector<16xf32> to vector<1xf32>
      %squeeze3A_168 = vector.extract %slice3A_167[0] : f32 from vector<1xf32>
      %slice3A_169 = vector.extract_strided_slice %mul3A_116 {offsets = [11], sizes = [1], strides = [1]} : vector<16xf32> to vector<1xf32>
      %squeeze3A_170 = vector.extract %slice3A_169[0] : f32 from vector<1xf32>
      %slice3A_171 = vector.extract_strided_slice %mul3A_116 {offsets = [12], sizes = [1], strides = [1]} : vector<16xf32> to vector<1xf32>
      %squeeze3A_172 = vector.extract %slice3A_171[0] : f32 from vector<1xf32>
      %slice3A_173 = vector.extract_strided_slice %mul3A_116 {offsets = [13], sizes = [1], strides = [1]} : vector<16xf32> to vector<1xf32>
      %squeeze3A_174 = vector.extract %slice3A_173[0] : f32 from vector<1xf32>
      %slice3A_175 = vector.extract_strided_slice %mul3A_116 {offsets = [14], sizes = [1], strides = [1]} : vector<16xf32> to vector<1xf32>
      %squeeze3A_176 = vector.extract %slice3A_175[0] : f32 from vector<1xf32>
      %slice3A_177 = vector.extract_strided_slice %mul3A_116 {offsets = [15], sizes = [1], strides = [1]} : vector<16xf32> to vector<1xf32>
      %squeeze3A_178 = vector.extract %slice3A_177[0] : f32 from vector<1xf32>
      %scan3A_179 = arith.constant 0 : i32
      %scan3A_180 = arith.constant 0 : i32
      %scan3A_181 = arith.constant 62 : i32
      %scan3A_182 = arith.addi %scan3A_180, %scan3A_181 : i32
      %scan3A_183 = arith.constant 1 : i32
      scf.for %scan3A_412 = %scan3A_180 to %scan3A_182 step %scan3A_183  : i32 {
        %mul3A_413 = arith.constant 16 : i32
        %mul3A_414 = arith.muli %scan3A_412, %mul3A_413 : i32
        %get3A_415 = arith.constant 0 : i32
        %get3A_416 = arith.index_cast %get3A_415 : i32 to index
        %get3A_417 = arith.index_cast %mul3A_414 : i32 to index
        %get3A_418 = tpu.vector_load %arg10[%get3A_416, %get3A_417] {strides = array<i32>} : memref<2x1024xf32, #tpu.memory_space<vmem>>, vector<16xf32>,
        %get3A_419 = arith.constant 1 : i32
        %get3A_420 = arith.index_cast %get3A_419 : i32 to index
        %get3A_421 = arith.index_cast %mul3A_414 : i32 to index
        %get3A_422 = tpu.vector_load %arg10[%get3A_420, %get3A_421] {strides = array<i32>} : memref<2x1024xf32, #tpu.memory_space<vmem>>, vector<16xf32>,
        %get3A_423 = arith.constant 0 : i32
        %get3A_424 = arith.index_cast %get3A_423 : i32 to index
        %get3A_425 = arith.index_cast %mul3A_414 : i32 to index
        %get3A_426 = tpu.vector_load %arg12[%get3A_424, %get3A_425] {strides = array<i32>} : memref<2x1024xf32, #tpu.memory_space<vmem>>, vector<16xf32>,
        %get3A_427 = arith.constant 1 : i32
        %get3A_428 = arith.index_cast %get3A_427 : i32 to index
        %get3A_429 = arith.index_cast %mul3A_414 : i32 to index
        %get3A_430 = tpu.vector_load %arg12[%get3A_428, %get3A_429] {strides = array<i32>} : memref<2x1024xf32, #tpu.memory_space<vmem>>, vector<16xf32>,
        %get3A_431 = arith.constant 0 : i32
        %get3A_432 = arith.index_cast %get3A_431 : i32 to index
        %get3A_433 = arith.index_cast %mul3A_414 : i32 to index
        %get3A_434 = tpu.vector_load %arg11[%get3A_432, %get3A_433] {strides = array<i32>} : memref<16x1024xf32, #tpu.memory_space<vmem>>, vector<16xf32>,
        %add3A_435 = arith.addf %get3A_434, %get3A_426 : vector<16xf32>
        %mul3A_436 = vector.broadcast %squeeze3A : f32 to vector<16xf32>
        %mul3A_437 = arith.mulf %mul3A_436, %add3A_435 : vector<16xf32>
        %mul3A_438 = vector.broadcast %squeeze3A_148 : f32 to vector<16xf32>
        %mul3A_439 = arith.mulf %mul3A_438, %get3A_418 : vector<16xf32>
        %add3A_440 = arith.addf %mul3A_437, %mul3A_439 : vector<16xf32>
        %add3A_441 = arith.addf %add3A_440, %get3A_422 : vector<16xf32>
        %add3A_442 = arith.constant 0 : i32
        %add3A_443 = arith.addi %add3A_442, %mul3A_414 : i32
        %swap3A_444 = arith.index_cast %add3A_443 : i32 to index
        %swap3A_445 = tpu.vector_load %arg14[%swap3A_444] {strides = array<i32>} : memref<16000xf32, #tpu.memory_space<vmem>>, vector<16xf32>,
        tpu.vector_store %arg14[%swap3A_444], %add3A_441 {strides = array<i32>} : memref<16000xf32, #tpu.memory_space<vmem>>, vector<16xf32>,
        %get3A_446 = arith.constant 1 : i32
        %get3A_447 = arith.index_cast %get3A_446 : i32 to index
        %get3A_448 = arith.index_cast %mul3A_414 : i32 to index
        %get3A_449 = tpu.vector_load %arg11[%get3A_447, %get3A_448] {strides = array<i32>} : memref<16x1024xf32, #tpu.memory_space<vmem>>, vector<16xf32>,
        %add3A_450 = arith.addf %get3A_449, %get3A_426 : vector<16xf32>
        %mul3A_451 = vector.broadcast %squeeze3A_118 : f32 to vector<16xf32>
        %mul3A_452 = arith.mulf %mul3A_451, %add3A_450 : vector<16xf32>
        %mul3A_453 = vector.broadcast %squeeze3A_150 : f32 to vector<16xf32>
        %mul3A_454 = arith.mulf %mul3A_453, %get3A_418 : vector<16xf32>
        %add3A_455 = arith.addf %mul3A_452, %mul3A_454 : vector<16xf32>
        %add3A_456 = arith.addf %add3A_455, %get3A_422 : vector<16xf32>
        %add3A_457 = arith.constant 1000 : i32
        %add3A_458 = arith.addi %add3A_457, %mul3A_414 : i32
        %swap3A_459 = arith.index_cast %add3A_458 : i32 to index
        %swap3A_460 = tpu.vector_load %arg14[%swap3A_459] {strides = array<i32>} : memref<16000xf32, #tpu.memory_space<vmem>>, vector<16xf32>,
        tpu.vector_store %arg14[%swap3A_459], %add3A_456 {strides = array<i32>} : memref<16000xf32, #tpu.memory_space<vmem>>, vector<16xf32>,
        %get3A_461 = arith.constant 2 : i32
        %get3A_462 = arith.index_cast %get3A_461 : i32 to index
        %get3A_463 = arith.index_cast %mul3A_414 : i32 to index
        %get3A_464 = tpu.vector_load %arg11[%get3A_462, %get3A_463] {strides = array<i32>} : memref<16x1024xf32, #tpu.memory_space<vmem>>, vector<16xf32>,
        %add3A_465 = arith.addf %get3A_464, %get3A_426 : vector<16xf32>
        %mul3A_466 = vector.broadcast %squeeze3A_120 : f32 to vector<16xf32>
        %mul3A_467 = arith.mulf %mul3A_466, %add3A_465 : vector<16xf32>
        %mul3A_468 = vector.broadcast %squeeze3A_152 : f32 to vector<16xf32>
        %mul3A_469 = arith.mulf %mul3A_468, %get3A_418 : vector<16xf32>
        %add3A_470 = arith.addf %mul3A_467, %mul3A_469 : vector<16xf32>
        %add3A_471 = arith.addf %add3A_470, %get3A_422 : vector<16xf32>
        %add3A_472 = arith.constant 2000 : i32
        %add3A_473 = arith.addi %add3A_472, %mul3A_414 : i32
        %swap3A_474 = arith.index_cast %add3A_473 : i32 to index
        %swap3A_475 = tpu.vector_load %arg14[%swap3A_474] {strides = array<i32>} : memref<16000xf32, #tpu.memory_space<vmem>>, vector<16xf32>,
        tpu.vector_store %arg14[%swap3A_474], %add3A_471 {strides = array<i32>} : memref<16000xf32, #tpu.memory_space<vmem>>, vector<16xf32>,
        %get3A_476 = arith.constant 3 : i32
        %get3A_477 = arith.index_cast %get3A_476 : i32 to index
        %get3A_478 = arith.index_cast %mul3A_414 : i32 to index
        %get3A_479 = tpu.vector_load %arg11[%get3A_477, %get3A_478] {strides = array<i32>} : memref<16x1024xf32, #tpu.memory_space<vmem>>, vector<16xf32>,
        %add3A_480 = arith.addf %get3A_479, %get3A_426 : vector<16xf32>
        %mul3A_481 = vector.broadcast %squeeze3A_122 : f32 to vector<16xf32>
        %mul3A_482 = arith.mulf %mul3A_481, %add3A_480 : vector<16xf32>
        %mul3A_483 = vector.broadcast %squeeze3A_154 : f32 to vector<16xf32>
        %mul3A_484 = arith.mulf %mul3A_483, %get3A_418 : vector<16xf32>
        %add3A_485 = arith.addf %mul3A_482, %mul3A_484 : vector<16xf32>
        %add3A_486 = arith.addf %add3A_485, %get3A_422 : vector<16xf32>
        %add3A_487 = arith.constant 3000 : i32
        %add3A_488 = arith.addi %add3A_487, %mul3A_414 : i32
        %swap3A_489 = arith.index_cast %add3A_488 : i32 to index
        %swap3A_490 = tpu.vector_load %arg14[%swap3A_489] {strides = array<i32>} : memref<16000xf32, #tpu.memory_space<vmem>>, vector<16xf32>,
        tpu.vector_store %arg14[%swap3A_489], %add3A_486 {strides = array<i32>} : memref<16000xf32, #tpu.memory_space<vmem>>, vector<16xf32>,
        %get3A_491 = arith.constant 4 : i32
        %get3A_492 = arith.index_cast %get3A_491 : i32 to index
        %get3A_493 = arith.index_cast %mul3A_414 : i32 to index
        %get3A_494 = tpu.vector_load %arg11[%get3A_492, %get3A_493] {strides = array<i32>} : memref<16x1024xf32, #tpu.memory_space<vmem>>, vector<16xf32>,
        %add3A_495 = arith.addf %get3A_494, %get3A_426 : vector<16xf32>
        %mul3A_496 = vector.broadcast %squeeze3A_124 : f32 to vector<16xf32>
        %mul3A_497 = arith.mulf %mul3A_496, %add3A_495 : vector<16xf32>
        %mul3A_498 = vector.broadcast %squeeze3A_156 : f32 to vector<16xf32>
        %mul3A_499 = arith.mulf %mul3A_498, %get3A_418 : vector<16xf32>
        %add3A_500 = arith.addf %mul3A_497, %mul3A_499 : vector<16xf32>
        %add3A_501 = arith.addf %add3A_500, %get3A_422 : vector<16xf32>
        %add3A_502 = arith.constant 4000 : i32
        %add3A_503 = arith.addi %add3A_502, %mul3A_414 : i32
        %swap3A_504 = arith.index_cast %add3A_503 : i32 to index
        %swap3A_505 = tpu.vector_load %arg14[%swap3A_504] {strides = array<i32>} : memref<16000xf32, #tpu.memory_space<vmem>>, vector<16xf32>,
        tpu.vector_store %arg14[%swap3A_504], %add3A_501 {strides = array<i32>} : memref<16000xf32, #tpu.memory_space<vmem>>, vector<16xf32>,
        %get3A_506 = arith.constant 5 : i32
        %get3A_507 = arith.index_cast %get3A_506 : i32 to index
        %get3A_508 = arith.index_cast %mul3A_414 : i32 to index
        %get3A_509 = tpu.vector_load %arg11[%get3A_507, %get3A_508] {strides = array<i32>} : memref<16x1024xf32, #tpu.memory_space<vmem>>, vector<16xf32>,
        %add3A_510 = arith.addf %get3A_509, %get3A_426 : vector<16xf32>
        %mul3A_511 = vector.broadcast %squeeze3A_126 : f32 to vector<16xf32>
        %mul3A_512 = arith.mulf %mul3A_511, %add3A_510 : vector<16xf32>
        %mul3A_513 = vector.broadcast %squeeze3A_158 : f32 to vector<16xf32>
        %mul3A_514 = arith.mulf %mul3A_513, %get3A_418 : vector<16xf32>
        %add3A_515 = arith.addf %mul3A_512, %mul3A_514 : vector<16xf32>
        %add3A_516 = arith.addf %add3A_515, %get3A_422 : vector<16xf32>
        %add3A_517 = arith.constant 5000 : i32
        %add3A_518 = arith.addi %add3A_517, %mul3A_414 : i32
        %swap3A_519 = arith.index_cast %add3A_518 : i32 to index
        %swap3A_520 = tpu.vector_load %arg14[%swap3A_519] {strides = array<i32>} : memref<16000xf32, #tpu.memory_space<vmem>>, vector<16xf32>,
        tpu.vector_store %arg14[%swap3A_519], %add3A_516 {strides = array<i32>} : memref<16000xf32, #tpu.memory_space<vmem>>, vector<16xf32>,
        %get3A_521 = arith.constant 6 : i32
        %get3A_522 = arith.index_cast %get3A_521 : i32 to index
        %get3A_523 = arith.index_cast %mul3A_414 : i32 to index
        %get3A_524 = tpu.vector_load %arg11[%get3A_522, %get3A_523] {strides = array<i32>} : memref<16x1024xf32, #tpu.memory_space<vmem>>, vector<16xf32>,
        %add3A_525 = arith.addf %get3A_524, %get3A_426 : vector<16xf32>
        %mul3A_526 = vector.broadcast %squeeze3A_128 : f32 to vector<16xf32>
        %mul3A_527 = arith.mulf %mul3A_526, %add3A_525 : vector<16xf32>
        %mul3A_528 = vector.broadcast %squeeze3A_160 : f32 to vector<16xf32>
        %mul3A_529 = arith.mulf %mul3A_528, %get3A_418 : vector<16xf32>
        %add3A_530 = arith.addf %mul3A_527, %mul3A_529 : vector<16xf32>
        %add3A_531 = arith.addf %add3A_530, %get3A_422 : vector<16xf32>
        %add3A_532 = arith.constant 6000 : i32
        %add3A_533 = arith.addi %add3A_532, %mul3A_414 : i32
        %swap3A_534 = arith.index_cast %add3A_533 : i32 to index
        %swap3A_535 = tpu.vector_load %arg14[%swap3A_534] {strides = array<i32>} : memref<16000xf32, #tpu.memory_space<vmem>>, vector<16xf32>,
        tpu.vector_store %arg14[%swap3A_534], %add3A_531 {strides = array<i32>} : memref<16000xf32, #tpu.memory_space<vmem>>, vector<16xf32>,
        %get3A_536 = arith.constant 7 : i32
        %get3A_537 = arith.index_cast %get3A_536 : i32 to index
        %get3A_538 = arith.index_cast %mul3A_414 : i32 to index
        %get3A_539 = tpu.vector_load %arg11[%get3A_537, %get3A_538] {strides = array<i32>} : memref<16x1024xf32, #tpu.memory_space<vmem>>, vector<16xf32>,
        %add3A_540 = arith.addf %get3A_539, %get3A_426 : vector<16xf32>
        %mul3A_541 = vector.broadcast %squeeze3A_130 : f32 to vector<16xf32>
        %mul3A_542 = arith.mulf %mul3A_541, %add3A_540 : vector<16xf32>
        %mul3A_543 = vector.broadcast %squeeze3A_162 : f32 to vector<16xf32>
        %mul3A_544 = arith.mulf %mul3A_543, %get3A_418 : vector<16xf32>
        %add3A_545 = arith.addf %mul3A_542, %mul3A_544 : vector<16xf32>
        %add3A_546 = arith.addf %add3A_545, %get3A_422 : vector<16xf32>
        %add3A_547 = arith.constant 7000 : i32
        %add3A_548 = arith.addi %add3A_547, %mul3A_414 : i32
        %swap3A_549 = arith.index_cast %add3A_548 : i32 to index
        %swap3A_550 = tpu.vector_load %arg14[%swap3A_549] {strides = array<i32>} : memref<16000xf32, #tpu.memory_space<vmem>>, vector<16xf32>,
        tpu.vector_store %arg14[%swap3A_549], %add3A_546 {strides = array<i32>} : memref<16000xf32, #tpu.memory_space<vmem>>, vector<16xf32>,
        %get3A_551 = arith.constant 8 : i32
        %get3A_552 = arith.index_cast %get3A_551 : i32 to index
        %get3A_553 = arith.index_cast %mul3A_414 : i32 to index
        %get3A_554 = tpu.vector_load %arg11[%get3A_552, %get3A_553] {strides = array<i32>} : memref<16x1024xf32, #tpu.memory_space<vmem>>, vector<16xf32>,
        %add3A_555 = arith.addf %get3A_554, %get3A_430 : vector<16xf32>
        %mul3A_556 = vector.broadcast %squeeze3A_132 : f32 to vector<16xf32>
        %mul3A_557 = arith.mulf %mul3A_556, %add3A_555 : vector<16xf32>
        %mul3A_558 = vector.broadcast %squeeze3A_164 : f32 to vector<16xf32>
        %mul3A_559 = arith.mulf %mul3A_558, %get3A_418 : vector<16xf32>
        %add3A_560 = arith.addf %mul3A_557, %mul3A_559 : vector<16xf32>
        %add3A_561 = arith.addf %add3A_560, %get3A_422 : vector<16xf32>
        %add3A_562 = arith.constant 8000 : i32
        %add3A_563 = arith.addi %add3A_562, %mul3A_414 : i32
        %swap3A_564 = arith.index_cast %add3A_563 : i32 to index
        %swap3A_565 = tpu.vector_load %arg14[%swap3A_564] {strides = array<i32>} : memref<16000xf32, #tpu.memory_space<vmem>>, vector<16xf32>,
        tpu.vector_store %arg14[%swap3A_564], %add3A_561 {strides = array<i32>} : memref<16000xf32, #tpu.memory_space<vmem>>, vector<16xf32>,
        %get3A_566 = arith.constant 9 : i32
        %get3A_567 = arith.index_cast %get3A_566 : i32 to index
        %get3A_568 = arith.index_cast %mul3A_414 : i32 to index
        %get3A_569 = tpu.vector_load %arg11[%get3A_567, %get3A_568] {strides = array<i32>} : memref<16x1024xf32, #tpu.memory_space<vmem>>, vector<16xf32>,
        %add3A_570 = arith.addf %get3A_569, %get3A_430 : vector<16xf32>
        %mul3A_571 = vector.broadcast %squeeze3A_134 : f32 to vector<16xf32>
        %mul3A_572 = arith.mulf %mul3A_571, %add3A_570 : vector<16xf32>
        %mul3A_573 = vector.broadcast %squeeze3A_166 : f32 to vector<16xf32>
        %mul3A_574 = arith.mulf %mul3A_573, %get3A_418 : vector<16xf32>
        %add3A_575 = arith.addf %mul3A_572, %mul3A_574 : vector<16xf32>
        %add3A_576 = arith.addf %add3A_575, %get3A_422 : vector<16xf32>
        %add3A_577 = arith.constant 9000 : i32
        %add3A_578 = arith.addi %add3A_577, %mul3A_414 : i32
        %swap3A_579 = arith.index_cast %add3A_578 : i32 to index
        %swap3A_580 = tpu.vector_load %arg14[%swap3A_579] {strides = array<i32>} : memref<16000xf32, #tpu.memory_space<vmem>>, vector<16xf32>,
        tpu.vector_store %arg14[%swap3A_579], %add3A_576 {strides = array<i32>} : memref<16000xf32, #tpu.memory_space<vmem>>, vector<16xf32>,
        %get3A_581 = arith.constant 10 : i32
        %get3A_582 = arith.index_cast %get3A_581 : i32 to index
        %get3A_583 = arith.index_cast %mul3A_414 : i32 to index
        %get3A_584 = tpu.vector_load %arg11[%get3A_582, %get3A_583] {strides = array<i32>} : memref<16x1024xf32, #tpu.memory_space<vmem>>, vector<16xf32>,
        %add3A_585 = arith.addf %get3A_584, %get3A_430 : vector<16xf32>
        %mul3A_586 = vector.broadcast %squeeze3A_136 : f32 to vector<16xf32>
        %mul3A_587 = arith.mulf %mul3A_586, %add3A_585 : vector<16xf32>
        %mul3A_588 = vector.broadcast %squeeze3A_168 : f32 to vector<16xf32>
        %mul3A_589 = arith.mulf %mul3A_588, %get3A_418 : vector<16xf32>
        %add3A_590 = arith.addf %mul3A_587, %mul3A_589 : vector<16xf32>
        %add3A_591 = arith.addf %add3A_590, %get3A_422 : vector<16xf32>
        %add3A_592 = arith.constant 10000 : i32
        %add3A_593 = arith.addi %add3A_592, %mul3A_414 : i32
        %swap3A_594 = arith.index_cast %add3A_593 : i32 to index
        %swap3A_595 = tpu.vector_load %arg14[%swap3A_594] {strides = array<i32>} : memref<16000xf32, #tpu.memory_space<vmem>>, vector<16xf32>,
        tpu.vector_store %arg14[%swap3A_594], %add3A_591 {strides = array<i32>} : memref<16000xf32, #tpu.memory_space<vmem>>, vector<16xf32>,
        %get3A_596 = arith.constant 11 : i32
        %get3A_597 = arith.index_cast %get3A_596 : i32 to index
        %get3A_598 = arith.index_cast %mul3A_414 : i32 to index
        %get3A_599 = tpu.vector_load %arg11[%get3A_597, %get3A_598] {strides = array<i32>} : memref<16x1024xf32, #tpu.memory_space<vmem>>, vector<16xf32>,
        %add3A_600 = arith.addf %get3A_599, %get3A_430 : vector<16xf32>
        %mul3A_601 = vector.broadcast %squeeze3A_138 : f32 to vector<16xf32>
        %mul3A_602 = arith.mulf %mul3A_601, %add3A_600 : vector<16xf32>
        %mul3A_603 = vector.broadcast %squeeze3A_170 : f32 to vector<16xf32>
        %mul3A_604 = arith.mulf %mul3A_603, %get3A_418 : vector<16xf32>
        %add3A_605 = arith.addf %mul3A_602, %mul3A_604 : vector<16xf32>
        %add3A_606 = arith.addf %add3A_605, %get3A_422 : vector<16xf32>
        %add3A_607 = arith.constant 11000 : i32
        %add3A_608 = arith.addi %add3A_607, %mul3A_414 : i32
        %swap3A_609 = arith.index_cast %add3A_608 : i32 to index
        %swap3A_610 = tpu.vector_load %arg14[%swap3A_609] {strides = array<i32>} : memref<16000xf32, #tpu.memory_space<vmem>>, vector<16xf32>,
        tpu.vector_store %arg14[%swap3A_609], %add3A_606 {strides = array<i32>} : memref<16000xf32, #tpu.memory_space<vmem>>, vector<16xf32>,
        %get3A_611 = arith.constant 12 : i32
        %get3A_612 = arith.index_cast %get3A_611 : i32 to index
        %get3A_613 = arith.index_cast %mul3A_414 : i32 to index
        %get3A_614 = tpu.vector_load %arg11[%get3A_612, %get3A_613] {strides = array<i32>} : memref<16x1024xf32, #tpu.memory_space<vmem>>, vector<16xf32>,
        %add3A_615 = arith.addf %get3A_614, %get3A_430 : vector<16xf32>
        %mul3A_616 = vector.broadcast %squeeze3A_140 : f32 to vector<16xf32>
        %mul3A_617 = arith.mulf %mul3A_616, %add3A_615 : vector<16xf32>
        %mul3A_618 = vector.broadcast %squeeze3A_172 : f32 to vector<16xf32>
        %mul3A_619 = arith.mulf %mul3A_618, %get3A_418 : vector<16xf32>
        %add3A_620 = arith.addf %mul3A_617, %mul3A_619 : vector<16xf32>
        %add3A_621 = arith.addf %add3A_620, %get3A_422 : vector<16xf32>
        %add3A_622 = arith.constant 12000 : i32
        %add3A_623 = arith.addi %add3A_622, %mul3A_414 : i32
        %swap3A_624 = arith.index_cast %add3A_623 : i32 to index
        %swap3A_625 = tpu.vector_load %arg14[%swap3A_624] {strides = array<i32>} : memref<16000xf32, #tpu.memory_space<vmem>>, vector<16xf32>,
        tpu.vector_store %arg14[%swap3A_624], %add3A_621 {strides = array<i32>} : memref<16000xf32, #tpu.memory_space<vmem>>, vector<16xf32>,
        %get3A_626 = arith.constant 13 : i32
        %get3A_627 = arith.index_cast %get3A_626 : i32 to index
        %get3A_628 = arith.index_cast %mul3A_414 : i32 to index
        %get3A_629 = tpu.vector_load %arg11[%get3A_627, %get3A_628] {strides = array<i32>} : memref<16x1024xf32, #tpu.memory_space<vmem>>, vector<16xf32>,
        %add3A_630 = arith.addf %get3A_629, %get3A_430 : vector<16xf32>
        %mul3A_631 = vector.broadcast %squeeze3A_142 : f32 to vector<16xf32>
        %mul3A_632 = arith.mulf %mul3A_631, %add3A_630 : vector<16xf32>
        %mul3A_633 = vector.broadcast %squeeze3A_174 : f32 to vector<16xf32>
        %mul3A_634 = arith.mulf %mul3A_633, %get3A_418 : vector<16xf32>
        %add3A_635 = arith.addf %mul3A_632, %mul3A_634 : vector<16xf32>
        %add3A_636 = arith.addf %add3A_635, %get3A_422 : vector<16xf32>
        %add3A_637 = arith.constant 13000 : i32
        %add3A_638 = arith.addi %add3A_637, %mul3A_414 : i32
        %swap3A_639 = arith.index_cast %add3A_638 : i32 to index
        %swap3A_640 = tpu.vector_load %arg14[%swap3A_639] {strides = array<i32>} : memref<16000xf32, #tpu.memory_space<vmem>>, vector<16xf32>,
        tpu.vector_store %arg14[%swap3A_639], %add3A_636 {strides = array<i32>} : memref<16000xf32, #tpu.memory_space<vmem>>, vector<16xf32>,
        %get3A_641 = arith.constant 14 : i32
        %get3A_642 = arith.index_cast %get3A_641 : i32 to index
        %get3A_643 = arith.index_cast %mul3A_414 : i32 to index
        %get3A_644 = tpu.vector_load %arg11[%get3A_642, %get3A_643] {strides = array<i32>} : memref<16x1024xf32, #tpu.memory_space<vmem>>, vector<16xf32>,
        %add3A_645 = arith.addf %get3A_644, %get3A_430 : vector<16xf32>
        %mul3A_646 = vector.broadcast %squeeze3A_144 : f32 to vector<16xf32>
        %mul3A_647 = arith.mulf %mul3A_646, %add3A_645 : vector<16xf32>
        %mul3A_648 = vector.broadcast %squeeze3A_176 : f32 to vector<16xf32>
        %mul3A_649 = arith.mulf %mul3A_648, %get3A_418 : vector<16xf32>
        %add3A_650 = arith.addf %mul3A_647, %mul3A_649 : vector<16xf32>
        %add3A_651 = arith.addf %add3A_650, %get3A_422 : vector<16xf32>
        %add3A_652 = arith.constant 14000 : i32
        %add3A_653 = arith.addi %add3A_652, %mul3A_414 : i32
        %swap3A_654 = arith.index_cast %add3A_653 : i32 to index
        %swap3A_655 = tpu.vector_load %arg14[%swap3A_654] {strides = array<i32>} : memref<16000xf32, #tpu.memory_space<vmem>>, vector<16xf32>,
        tpu.vector_store %arg14[%swap3A_654], %add3A_651 {strides = array<i32>} : memref<16000xf32, #tpu.memory_space<vmem>>, vector<16xf32>,
        %get3A_656 = arith.constant 15 : i32
        %get3A_657 = arith.index_cast %get3A_656 : i32 to index
        %get3A_658 = arith.index_cast %mul3A_414 : i32 to index
        %get3A_659 = tpu.vector_load %arg11[%get3A_657, %get3A_658] {strides = array<i32>} : memref<16x1024xf32, #tpu.memory_space<vmem>>, vector<16xf32>,
        %add3A_660 = arith.addf %get3A_659, %get3A_430 : vector<16xf32>
        %mul3A_661 = vector.broadcast %squeeze3A_146 : f32 to vector<16xf32>
        %mul3A_662 = arith.mulf %mul3A_661, %add3A_660 : vector<16xf32>
        %mul3A_663 = vector.broadcast %squeeze3A_178 : f32 to vector<16xf32>
        %mul3A_664 = arith.mulf %mul3A_663, %get3A_418 : vector<16xf32>
        %add3A_665 = arith.addf %mul3A_662, %mul3A_664 : vector<16xf32>
        %add3A_666 = arith.addf %add3A_665, %get3A_422 : vector<16xf32>
        %add3A_667 = arith.constant 15000 : i32
        %add3A_668 = arith.addi %add3A_667, %mul3A_414 : i32
        %swap3A_669 = arith.index_cast %add3A_668 : i32 to index
        %swap3A_670 = tpu.vector_load %arg14[%swap3A_669] {strides = array<i32>} : memref<16000xf32, #tpu.memory_space<vmem>>, vector<16xf32>,
        tpu.vector_store %arg14[%swap3A_669], %add3A_666 {strides = array<i32>} : memref<16000xf32, #tpu.memory_space<vmem>>, vector<16xf32>,
      }
      %scan3A_184 = arith.constant 62 : i32
      %get3A_185 = arith.constant 0 : i32
      %get3A_186 = arith.index_cast %get3A_185 : i32 to index
      %get3A_187 = arith.constant 984 : index
      %get3A_188 = tpu.vector_load %arg10[%get3A_186, %get3A_187] {strides = array<i32>} : memref<2x1024xf32, #tpu.memory_space<vmem>>, vector<16xf32>,
      %get3A_189 = arith.constant 1 : i32
      %get3A_190 = arith.index_cast %get3A_189 : i32 to index
      %get3A_191 = arith.constant 984 : index
      %get3A_192 = tpu.vector_load %arg10[%get3A_190, %get3A_191] {strides = array<i32>} : memref<2x1024xf32, #tpu.memory_space<vmem>>, vector<16xf32>,
      %get3A_193 = arith.constant 0 : i32
      %get3A_194 = arith.index_cast %get3A_193 : i32 to index
      %get3A_195 = arith.constant 984 : index
      %get3A_196 = tpu.vector_load %arg12[%get3A_194, %get3A_195] {strides = array<i32>} : memref<2x1024xf32, #tpu.memory_space<vmem>>, vector<16xf32>,
      %get3A_197 = arith.constant 1 : i32
      %get3A_198 = arith.index_cast %get3A_197 : i32 to index
      %get3A_199 = arith.constant 984 : index
      %get3A_200 = tpu.vector_load %arg12[%get3A_198, %get3A_199] {strides = array<i32>} : memref<2x1024xf32, #tpu.memory_space<vmem>>, vector<16xf32>,
      %get3A_201 = arith.constant 0 : i32
      %get3A_202 = arith.index_cast %get3A_201 : i32 to index
      %get3A_203 = arith.constant 984 : index
      %get3A_204 = tpu.vector_load %arg11[%get3A_202, %get3A_203] {strides = array<i32>} : memref<16x1024xf32, #tpu.memory_space<vmem>>, vector<16xf32>,
      %add3A_205 = arith.addf %get3A_204, %get3A_196 : vector<16xf32>
      %mul3A_206 = vector.broadcast %squeeze3A : f32 to vector<16xf32>
      %mul3A_207 = arith.mulf %mul3A_206, %add3A_205 : vector<16xf32>
      %mul3A_208 = vector.broadcast %squeeze3A_148 : f32 to vector<16xf32>
      %mul3A_209 = arith.mulf %mul3A_208, %get3A_188 : vector<16xf32>
      %add3A_210 = arith.addf %mul3A_207, %mul3A_209 : vector<16xf32>
      %add3A_211 = arith.addf %add3A_210, %get3A_192 : vector<16xf32>
      %swap3A = arith.constant 984 : index
      %swap3A_212 = tpu.vector_load %arg14[%swap3A] {strides = array<i32>} : memref<16000xf32, #tpu.memory_space<vmem>>, vector<16xf32>,
      tpu.vector_store %arg14[%swap3A], %add3A_211 {strides = array<i32>} : memref<16000xf32, #tpu.memory_space<vmem>>, vector<16xf32>,
      %get3A_213 = arith.constant 1 : i32
      %get3A_214 = arith.index_cast %get3A_213 : i32 to index
      %get3A_215 = arith.constant 984 : index
      %get3A_216 = tpu.vector_load %arg11[%get3A_214, %get3A_215] {strides = array<i32>} : memref<16x1024xf32, #tpu.memory_space<vmem>>, vector<16xf32>,
      %add3A_217 = arith.addf %get3A_216, %get3A_196 : vector<16xf32>
      %mul3A_218 = vector.broadcast %squeeze3A_118 : f32 to vector<16xf32>
      %mul3A_219 = arith.mulf %mul3A_218, %add3A_217 : vector<16xf32>
      %mul3A_220 = vector.broadcast %squeeze3A_150 : f32 to vector<16xf32>
      %mul3A_221 = arith.mulf %mul3A_220, %get3A_188 : vector<16xf32>
      %add3A_222 = arith.addf %mul3A_219, %mul3A_221 : vector<16xf32>
      %add3A_223 = arith.addf %add3A_222, %get3A_192 : vector<16xf32>
      %swap3A_224 = arith.constant 1984 : index
      %swap3A_225 = tpu.vector_load %arg14[%swap3A_224] {strides = array<i32>} : memref<16000xf32, #tpu.memory_space<vmem>>, vector<16xf32>,
      tpu.vector_store %arg14[%swap3A_224], %add3A_223 {strides = array<i32>} : memref<16000xf32, #tpu.memory_space<vmem>>, vector<16xf32>,
      %get3A_226 = arith.constant 2 : i32
      %get3A_227 = arith.index_cast %get3A_226 : i32 to index
      %get3A_228 = arith.constant 984 : index
      %get3A_229 = tpu.vector_load %arg11[%get3A_227, %get3A_228] {strides = array<i32>} : memref<16x1024xf32, #tpu.memory_space<vmem>>, vector<16xf32>,
      %add3A_230 = arith.addf %get3A_229, %get3A_196 : vector<16xf32>
      %mul3A_231 = vector.broadcast %squeeze3A_120 : f32 to vector<16xf32>
      %mul3A_232 = arith.mulf %mul3A_231, %add3A_230 : vector<16xf32>
      %mul3A_233 = vector.broadcast %squeeze3A_152 : f32 to vector<16xf32>
      %mul3A_234 = arith.mulf %mul3A_233, %get3A_188 : vector<16xf32>
      %add3A_235 = arith.addf %mul3A_232, %mul3A_234 : vector<16xf32>
      %add3A_236 = arith.addf %add3A_235, %get3A_192 : vector<16xf32>
      %swap3A_237 = arith.constant 2984 : index
      %swap3A_238 = tpu.vector_load %arg14[%swap3A_237] {strides = array<i32>} : memref<16000xf32, #tpu.memory_space<vmem>>, vector<16xf32>,
      tpu.vector_store %arg14[%swap3A_237], %add3A_236 {strides = array<i32>} : memref<16000xf32, #tpu.memory_space<vmem>>, vector<16xf32>,
      %get3A_239 = arith.constant 3 : i32
      %get3A_240 = arith.index_cast %get3A_239 : i32 to index
      %get3A_241 = arith.constant 984 : index
      %get3A_242 = tpu.vector_load %arg11[%get3A_240, %get3A_241] {strides = array<i32>} : memref<16x1024xf32, #tpu.memory_space<vmem>>, vector<16xf32>,
      %add3A_243 = arith.addf %get3A_242, %get3A_196 : vector<16xf32>
      %mul3A_244 = vector.broadcast %squeeze3A_122 : f32 to vector<16xf32>
      %mul3A_245 = arith.mulf %mul3A_244, %add3A_243 : vector<16xf32>
      %mul3A_246 = vector.broadcast %squeeze3A_154 : f32 to vector<16xf32>
      %mul3A_247 = arith.mulf %mul3A_246, %get3A_188 : vector<16xf32>
      %add3A_248 = arith.addf %mul3A_245, %mul3A_247 : vector<16xf32>
      %add3A_249 = arith.addf %add3A_248, %get3A_192 : vector<16xf32>
      %swap3A_250 = arith.constant 3984 : index
      %swap3A_251 = tpu.vector_load %arg14[%swap3A_250] {strides = array<i32>} : memref<16000xf32, #tpu.memory_space<vmem>>, vector<16xf32>,
      tpu.vector_store %arg14[%swap3A_250], %add3A_249 {strides = array<i32>} : memref<16000xf32, #tpu.memory_space<vmem>>, vector<16xf32>,
      %get3A_252 = arith.constant 4 : i32
      %get3A_253 = arith.index_cast %get3A_252 : i32 to index
      %get3A_254 = arith.constant 984 : index
      %get3A_255 = tpu.vector_load %arg11[%get3A_253, %get3A_254] {strides = array<i32>} : memref<16x1024xf32, #tpu.memory_space<vmem>>, vector<16xf32>,
      %add3A_256 = arith.addf %get3A_255, %get3A_196 : vector<16xf32>
      %mul3A_257 = vector.broadcast %squeeze3A_124 : f32 to vector<16xf32>
      %mul3A_258 = arith.mulf %mul3A_257, %add3A_256 : vector<16xf32>
      %mul3A_259 = vector.broadcast %squeeze3A_156 : f32 to vector<16xf32>
      %mul3A_260 = arith.mulf %mul3A_259, %get3A_188 : vector<16xf32>
      %add3A_261 = arith.addf %mul3A_258, %mul3A_260 : vector<16xf32>
      %add3A_262 = arith.addf %add3A_261, %get3A_192 : vector<16xf32>
      %swap3A_263 = arith.constant 4984 : index
      %swap3A_264 = tpu.vector_load %arg14[%swap3A_263] {strides = array<i32>} : memref<16000xf32, #tpu.memory_space<vmem>>, vector<16xf32>,
      tpu.vector_store %arg14[%swap3A_263], %add3A_262 {strides = array<i32>} : memref<16000xf32, #tpu.memory_space<vmem>>, vector<16xf32>,
      %get3A_265 = arith.constant 5 : i32
      %get3A_266 = arith.index_cast %get3A_265 : i32 to index
      %get3A_267 = arith.constant 984 : index
      %get3A_268 = tpu.vector_load %arg11[%get3A_266, %get3A_267] {strides = array<i32>} : memref<16x1024xf32, #tpu.memory_space<vmem>>, vector<16xf32>,
      %add3A_269 = arith.addf %get3A_268, %get3A_196 : vector<16xf32>
      %mul3A_270 = vector.broadcast %squeeze3A_126 : f32 to vector<16xf32>
      %mul3A_271 = arith.mulf %mul3A_270, %add3A_269 : vector<16xf32>
      %mul3A_272 = vector.broadcast %squeeze3A_158 : f32 to vector<16xf32>
      %mul3A_273 = arith.mulf %mul3A_272, %get3A_188 : vector<16xf32>
      %add3A_274 = arith.addf %mul3A_271, %mul3A_273 : vector<16xf32>
      %add3A_275 = arith.addf %add3A_274, %get3A_192 : vector<16xf32>
      %swap3A_276 = arith.constant 5984 : index
      %swap3A_277 = tpu.vector_load %arg14[%swap3A_276] {strides = array<i32>} : memref<16000xf32, #tpu.memory_space<vmem>>, vector<16xf32>,
      tpu.vector_store %arg14[%swap3A_276], %add3A_275 {strides = array<i32>} : memref<16000xf32, #tpu.memory_space<vmem>>, vector<16xf32>,
      %get3A_278 = arith.constant 6 : i32
      %get3A_279 = arith.index_cast %get3A_278 : i32 to index
      %get3A_280 = arith.constant 984 : index
      %get3A_281 = tpu.vector_load %arg11[%get3A_279, %get3A_280] {strides = array<i32>} : memref<16x1024xf32, #tpu.memory_space<vmem>>, vector<16xf32>,
      %add3A_282 = arith.addf %get3A_281, %get3A_196 : vector<16xf32>
      %mul3A_283 = vector.broadcast %squeeze3A_128 : f32 to vector<16xf32>
      %mul3A_284 = arith.mulf %mul3A_283, %add3A_282 : vector<16xf32>
      %mul3A_285 = vector.broadcast %squeeze3A_160 : f32 to vector<16xf32>
      %mul3A_286 = arith.mulf %mul3A_285, %get3A_188 : vector<16xf32>
      %add3A_287 = arith.addf %mul3A_284, %mul3A_286 : vector<16xf32>
      %add3A_288 = arith.addf %add3A_287, %get3A_192 : vector<16xf32>
      %swap3A_289 = arith.constant 6984 : index
      %swap3A_290 = tpu.vector_load %arg14[%swap3A_289] {strides = array<i32>} : memref<16000xf32, #tpu.memory_space<vmem>>, vector<16xf32>,
      tpu.vector_store %arg14[%swap3A_289], %add3A_288 {strides = array<i32>} : memref<16000xf32, #tpu.memory_space<vmem>>, vector<16xf32>,
      %get3A_291 = arith.constant 7 : i32
      %get3A_292 = arith.index_cast %get3A_291 : i32 to index
      %get3A_293 = arith.constant 984 : index
      %get3A_294 = tpu.vector_load %arg11[%get3A_292, %get3A_293] {strides = array<i32>} : memref<16x1024xf32, #tpu.memory_space<vmem>>, vector<16xf32>,
      %add3A_295 = arith.addf %get3A_294, %get3A_196 : vector<16xf32>
      %mul3A_296 = vector.broadcast %squeeze3A_130 : f32 to vector<16xf32>
      %mul3A_297 = arith.mulf %mul3A_296, %add3A_295 : vector<16xf32>
      %mul3A_298 = vector.broadcast %squeeze3A_162 : f32 to vector<16xf32>
      %mul3A_299 = arith.mulf %mul3A_298, %get3A_188 : vector<16xf32>
      %add3A_300 = arith.addf %mul3A_297, %mul3A_299 : vector<16xf32>
      %add3A_301 = arith.addf %add3A_300, %get3A_192 : vector<16xf32>
      %swap3A_302 = arith.constant 7984 : index
      %swap3A_303 = tpu.vector_load %arg14[%swap3A_302] {strides = array<i32>} : memref<16000xf32, #tpu.memory_space<vmem>>, vector<16xf32>,
      tpu.vector_store %arg14[%swap3A_302], %add3A_301 {strides = array<i32>} : memref<16000xf32, #tpu.memory_space<vmem>>, vector<16xf32>,
      %get3A_304 = arith.constant 8 : i32
      %get3A_305 = arith.index_cast %get3A_304 : i32 to index
      %get3A_306 = arith.constant 984 : index
      %get3A_307 = tpu.vector_load %arg11[%get3A_305, %get3A_306] {strides = array<i32>} : memref<16x1024xf32, #tpu.memory_space<vmem>>, vector<16xf32>,
      %add3A_308 = arith.addf %get3A_307, %get3A_200 : vector<16xf32>
      %mul3A_309 = vector.broadcast %squeeze3A_132 : f32 to vector<16xf32>
      %mul3A_310 = arith.mulf %mul3A_309, %add3A_308 : vector<16xf32>
      %mul3A_311 = vector.broadcast %squeeze3A_164 : f32 to vector<16xf32>
      %mul3A_312 = arith.mulf %mul3A_311, %get3A_188 : vector<16xf32>
      %add3A_313 = arith.addf %mul3A_310, %mul3A_312 : vector<16xf32>
      %add3A_314 = arith.addf %add3A_313, %get3A_192 : vector<16xf32>
      %swap3A_315 = arith.constant 8984 : index
      %swap3A_316 = tpu.vector_load %arg14[%swap3A_315] {strides = array<i32>} : memref<16000xf32, #tpu.memory_space<vmem>>, vector<16xf32>,
      tpu.vector_store %arg14[%swap3A_315], %add3A_314 {strides = array<i32>} : memref<16000xf32, #tpu.memory_space<vmem>>, vector<16xf32>,
      %get3A_317 = arith.constant 9 : i32
      %get3A_318 = arith.index_cast %get3A_317 : i32 to index
      %get3A_319 = arith.constant 984 : index
      %get3A_320 = tpu.vector_load %arg11[%get3A_318, %get3A_319] {strides = array<i32>} : memref<16x1024xf32, #tpu.memory_space<vmem>>, vector<16xf32>,
      %add3A_321 = arith.addf %get3A_320, %get3A_200 : vector<16xf32>
      %mul3A_322 = vector.broadcast %squeeze3A_134 : f32 to vector<16xf32>
      %mul3A_323 = arith.mulf %mul3A_322, %add3A_321 : vector<16xf32>
      %mul3A_324 = vector.broadcast %squeeze3A_166 : f32 to vector<16xf32>
      %mul3A_325 = arith.mulf %mul3A_324, %get3A_188 : vector<16xf32>
      %add3A_326 = arith.addf %mul3A_323, %mul3A_325 : vector<16xf32>
      %add3A_327 = arith.addf %add3A_326, %get3A_192 : vector<16xf32>
      %swap3A_328 = arith.constant 9984 : index
      %swap3A_329 = tpu.vector_load %arg14[%swap3A_328] {strides = array<i32>} : memref<16000xf32, #tpu.memory_space<vmem>>, vector<16xf32>,
      tpu.vector_store %arg14[%swap3A_328], %add3A_327 {strides = array<i32>} : memref<16000xf32, #tpu.memory_space<vmem>>, vector<16xf32>,
      %get3A_330 = arith.constant 10 : i32
      %get3A_331 = arith.index_cast %get3A_330 : i32 to index
      %get3A_332 = arith.constant 984 : index
      %get3A_333 = tpu.vector_load %arg11[%get3A_331, %get3A_332] {strides = array<i32>} : memref<16x1024xf32, #tpu.memory_space<vmem>>, vector<16xf32>,
      %add3A_334 = arith.addf %get3A_333, %get3A_200 : vector<16xf32>
      %mul3A_335 = vector.broadcast %squeeze3A_136 : f32 to vector<16xf32>
      %mul3A_336 = arith.mulf %mul3A_335, %add3A_334 : vector<16xf32>
      %mul3A_337 = vector.broadcast %squeeze3A_168 : f32 to vector<16xf32>
      %mul3A_338 = arith.mulf %mul3A_337, %get3A_188 : vector<16xf32>
      %add3A_339 = arith.addf %mul3A_336, %mul3A_338 : vector<16xf32>
      %add3A_340 = arith.addf %add3A_339, %get3A_192 : vector<16xf32>
      %swap3A_341 = arith.constant 10984 : index
      %swap3A_342 = tpu.vector_load %arg14[%swap3A_341] {strides = array<i32>} : memref<16000xf32, #tpu.memory_space<vmem>>, vector<16xf32>,
      tpu.vector_store %arg14[%swap3A_341], %add3A_340 {strides = array<i32>} : memref<16000xf32, #tpu.memory_space<vmem>>, vector<16xf32>,
      %get3A_343 = arith.constant 11 : i32
      %get3A_344 = arith.index_cast %get3A_343 : i32 to index
      %get3A_345 = arith.constant 984 : index
      %get3A_346 = tpu.vector_load %arg11[%get3A_344, %get3A_345] {strides = array<i32>} : memref<16x1024xf32, #tpu.memory_space<vmem>>, vector<16xf32>,
      %add3A_347 = arith.addf %get3A_346, %get3A_200 : vector<16xf32>
      %mul3A_348 = vector.broadcast %squeeze3A_138 : f32 to vector<16xf32>
      %mul3A_349 = arith.mulf %mul3A_348, %add3A_347 : vector<16xf32>
      %mul3A_350 = vector.broadcast %squeeze3A_170 : f32 to vector<16xf32>
      %mul3A_351 = arith.mulf %mul3A_350, %get3A_188 : vector<16xf32>
      %add3A_352 = arith.addf %mul3A_349, %mul3A_351 : vector<16xf32>
      %add3A_353 = arith.addf %add3A_352, %get3A_192 : vector<16xf32>
      %swap3A_354 = arith.constant 11984 : index
      %swap3A_355 = tpu.vector_load %arg14[%swap3A_354] {strides = array<i32>} : memref<16000xf32, #tpu.memory_space<vmem>>, vector<16xf32>,
      tpu.vector_store %arg14[%swap3A_354], %add3A_353 {strides = array<i32>} : memref<16000xf32, #tpu.memory_space<vmem>>, vector<16xf32>,
      %get3A_356 = arith.constant 12 : i32
      %get3A_357 = arith.index_cast %get3A_356 : i32 to index
      %get3A_358 = arith.constant 984 : index
      %get3A_359 = tpu.vector_load %arg11[%get3A_357, %get3A_358] {strides = array<i32>} : memref<16x1024xf32, #tpu.memory_space<vmem>>, vector<16xf32>,
      %add3A_360 = arith.addf %get3A_359, %get3A_200 : vector<16xf32>
      %mul3A_361 = vector.broadcast %squeeze3A_140 : f32 to vector<16xf32>
      %mul3A_362 = arith.mulf %mul3A_361, %add3A_360 : vector<16xf32>
      %mul3A_363 = vector.broadcast %squeeze3A_172 : f32 to vector<16xf32>
      %mul3A_364 = arith.mulf %mul3A_363, %get3A_188 : vector<16xf32>
      %add3A_365 = arith.addf %mul3A_362, %mul3A_364 : vector<16xf32>
      %add3A_366 = arith.addf %add3A_365, %get3A_192 : vector<16xf32>
      %swap3A_367 = arith.constant 12984 : index
      %swap3A_368 = tpu.vector_load %arg14[%swap3A_367] {strides = array<i32>} : memref<16000xf32, #tpu.memory_space<vmem>>, vector<16xf32>,
      tpu.vector_store %arg14[%swap3A_367], %add3A_366 {strides = array<i32>} : memref<16000xf32, #tpu.memory_space<vmem>>, vector<16xf32>,
      %get3A_369 = arith.constant 13 : i32
      %get3A_370 = arith.index_cast %get3A_369 : i32 to index
      %get3A_371 = arith.constant 984 : index
      %get3A_372 = tpu.vector_load %arg11[%get3A_370, %get3A_371] {strides = array<i32>} : memref<16x1024xf32, #tpu.memory_space<vmem>>, vector<16xf32>,
      %add3A_373 = arith.addf %get3A_372, %get3A_200 : vector<16xf32>
      %mul3A_374 = vector.broadcast %squeeze3A_142 : f32 to vector<16xf32>
      %mul3A_375 = arith.mulf %mul3A_374, %add3A_373 : vector<16xf32>
      %mul3A_376 = vector.broadcast %squeeze3A_174 : f32 to vector<16xf32>
      %mul3A_377 = arith.mulf %mul3A_376, %get3A_188 : vector<16xf32>
      %add3A_378 = arith.addf %mul3A_375, %mul3A_377 : vector<16xf32>
      %add3A_379 = arith.addf %add3A_378, %get3A_192 : vector<16xf32>
      %swap3A_380 = arith.constant 13984 : index
      %swap3A_381 = tpu.vector_load %arg14[%swap3A_380] {strides = array<i32>} : memref<16000xf32, #tpu.memory_space<vmem>>, vector<16xf32>,
      tpu.vector_store %arg14[%swap3A_380], %add3A_379 {strides = array<i32>} : memref<16000xf32, #tpu.memory_space<vmem>>, vector<16xf32>,
      %get3A_382 = arith.constant 14 : i32
      %get3A_383 = arith.index_cast %get3A_382 : i32 to index
      %get3A_384 = arith.constant 984 : index
      %get3A_385 = tpu.vector_load %arg11[%get3A_383, %get3A_384] {strides = array<i32>} : memref<16x1024xf32, #tpu.memory_space<vmem>>, vector<16xf32>,
      %add3A_386 = arith.addf %get3A_385, %get3A_200 : vector<16xf32>
      %mul3A_387 = vector.broadcast %squeeze3A_144 : f32 to vector<16xf32>
      %mul3A_388 = arith.mulf %mul3A_387, %add3A_386 : vector<16xf32>
      %mul3A_389 = vector.broadcast %squeeze3A_176 : f32 to vector<16xf32>
      %mul3A_390 = arith.mulf %mul3A_389, %get3A_188 : vector<16xf32>
      %add3A_391 = arith.addf %mul3A_388, %mul3A_390 : vector<16xf32>
      %add3A_392 = arith.addf %add3A_391, %get3A_192 : vector<16xf32>
      %swap3A_393 = arith.constant 14984 : index
      %swap3A_394 = tpu.vector_load %arg14[%swap3A_393] {strides = array<i32>} : memref<16000xf32, #tpu.memory_space<vmem>>, vector<16xf32>,
      tpu.vector_store %arg14[%swap3A_393], %add3A_392 {strides = array<i32>} : memref<16000xf32, #tpu.memory_space<vmem>>, vector<16xf32>,
      %get3A_395 = arith.constant 15 : i32
      %get3A_396 = arith.index_cast %get3A_395 : i32 to index
      %get3A_397 = arith.constant 984 : index
      %get3A_398 = tpu.vector_load %arg11[%get3A_396, %get3A_397] {strides = array<i32>} : memref<16x1024xf32, #tpu.memory_space<vmem>>, vector<16xf32>,
      %add3A_399 = arith.addf %get3A_398, %get3A_200 : vector<16xf32>
      %mul3A_400 = vector.broadcast %squeeze3A_146 : f32 to vector<16xf32>
      %mul3A_401 = arith.mulf %mul3A_400, %add3A_399 : vector<16xf32>
      %mul3A_402 = vector.broadcast %squeeze3A_178 : f32 to vector<16xf32>
      %mul3A_403 = arith.mulf %mul3A_402, %get3A_188 : vector<16xf32>
      %add3A_404 = arith.addf %mul3A_401, %mul3A_403 : vector<16xf32>
      %add3A_405 = arith.addf %add3A_404, %get3A_192 : vector<16xf32>
      %swap3A_406 = arith.constant 15984 : index
      %swap3A_407 = tpu.vector_load %arg14[%swap3A_406] {strides = array<i32>} : memref<16000xf32, #tpu.memory_space<vmem>>, vector<16xf32>,
      tpu.vector_store %arg14[%swap3A_406], %add3A_405 {strides = array<i32>} : memref<16000xf32, #tpu.memory_space<vmem>>, vector<16xf32>,
      %mul3A_408 = arith.constant 8 : i32
      %mul3A_409 = arith.muli %add3A_20, %mul3A_408 : i32
      %mul3A_410 = arith.constant 1000 : i32
      %mul3A_411 = arith.muli %mul3A_409, %mul3A_410 : i32
      "tpu.region"() ({
        %run_scoped3A = tpu.sem_alloc : memref<!tpu.dma_semaphore, #tpu.memory_space<semaphore_mem>>
        %dma_start3A_412 = tpu.memref_slice %arg6[%mul3A_411] : memref<32768000xf32, #tpu.memory_space<hbm>> -> memref<16000xf32, #tpu.memory_space<hbm>>
        %dma_start3A_413 = tpu.memref_slice %arg6[%mul3A_411] : memref<32768000xf32, #tpu.memory_space<hbm>> -> memref<16000xf32, #tpu.memory_space<hbm>>
        tpu.enqueue_dma source(%arg14 : memref<16000xf32, #tpu.memory_space<vmem>>) target(%dma_start3A_413 : memref<16000xf32, #tpu.memory_space<hbm>>) target_semaphore(%run_scoped3A : memref<!tpu.dma_semaphore, #tpu.memory_space<semaphore_mem>>)
        %dma_wait3A_414 = tpu.memref_slice %arg6[%mul3A_411] : memref<32768000xf32, #tpu.memory_space<hbm>> -> memref<16000xf32, #tpu.memory_space<hbm>>
        %dma_wait3A_415 = tpu.memref_slice %arg6[%mul3A_411] : memref<32768000xf32, #tpu.memory_space<hbm>> -> memref<16000xf32, #tpu.memory_space<hbm>>
        tpu.wait_dma2 semaphore(%run_scoped3A : memref<!tpu.dma_semaphore, #tpu.memory_space<semaphore_mem>>) src(%arg14 : memref<16000xf32, #tpu.memory_space<vmem>>) dst(%dma_wait3A_415 : memref<16000xf32, #tpu.memory_space<hbm>>)
        tpu.yield
      }) : () -> ()
    }
    %scan3A_16 = arith.constant 64 : i32
    return
  }
}

module attributes {stable_mosaic.version = 14 : i64} {
  func.func @_tc2_body(%arg0: i32, %arg1: memref<256x1024xf32, #tpu.memory_space<vmem>>, %arg2: memref<1024x1024xf32, #tpu.memory_space<vmem>>, %arg3: memref<256x1024xf32, #tpu.memory_space<vmem>>) attributes {dimension_semantics = [#tpu.dimension_semantics<arbitrary>], iteration_bounds = array<i64: 16>, scalar_prefetch = 0 : i64, scratch_operands = 0 : i64, tpu.core_type = #tpu.core_type<tc>, window_params = [{transform_indices = @transform_0, window_bounds = array<i64: 256, 1024>}, {pipeline_mode = #tpu.pipeline_mode<synchronous>, transform_indices = @transform_1, window_bounds = array<i64: 1024, 1024>}, {transform_indices = @transform_2, window_bounds = array<i64: 256, 1024>}]} {
    %get3A = arith.constant 0 : index
    %get3A_0 = arith.constant 0 : index
    %get3A_1 = vector.load %arg1[%get3A, %get3A_0] : memref<256x1024xf32, #tpu.memory_space<vmem>>, vector<256x1024xf32>
    %get3A_2 = arith.constant 0 : index
    %get3A_3 = arith.constant 0 : index
    %get3A_4 = vector.load %arg2[%get3A_2, %get3A_3] : memref<1024x1024xf32, #tpu.memory_space<vmem>>, vector<1024x1024xf32>
    %dot_general3A = arith.constant dense<0.000000e+00> : vector<256x1024xf32>
    %dot_general3A_5 = tpu.matmul %get3A_1, %get3A_4, %dot_general3A {dimension_numbers = #tpu.dot_dimension_numbers<[1], [1], [0], [0], [0, 0, 1, 0], [], []>, transpose_lhs_hint = false} : vector<256x1024xf32>, vector<1024x1024xf32>, vector<256x1024xf32> -> vector<256x1024xf32>
    %swap3A = arith.constant 0 : index
    %swap3A_6 = arith.constant 0 : index
    %swap3A_7 = vector.load %arg3[%swap3A, %swap3A_6] : memref<256x1024xf32, #tpu.memory_space<vmem>>, vector<256x1024xf32>
    tpu.vector_store %arg3[%swap3A, %swap3A_6], %dot_general3A_5 {strides = array<i32>} : memref<256x1024xf32, #tpu.memory_space<vmem>>, vector<256x1024xf32>,
    return
  }
  func.func @transform_0(%arg0: i32) -> (i32, i32) {
    %c0_i32 = arith.constant 0 : i32
    %c0_i32_0 = arith.constant 0 : i32
    return %arg0, %c0_i32 : i32, i32
  }
  func.func @transform_1(%arg0: i32) -> (i32, i32) {
    %c0_i32 = arith.constant 0 : i32
    %c0_i32_0 = arith.constant 0 : i32
    %c0_i32_1 = arith.constant 0 : i32
    return %c0_i32, %c0_i32_0 : i32, i32
  }
  func.func @transform_2(%arg0: i32) -> (i32, i32) {
    %c0_i32 = arith.constant 0 : i32
    %c0_i32_0 = arith.constant 0 : i32
    return %arg0, %c0_i32 : i32, i32
  }
}

module attributes {stable_mosaic.version = 14 : i64} {
  func.func @_tc1_body(%arg0: i32, %arg1: memref<256x1024xf32, #tpu.memory_space<vmem>>, %arg2: memref<1024x1024xf32, #tpu.memory_space<vmem>>, %arg3: memref<1x1024xf32, #tpu.memory_space<vmem>>, %arg4: memref<1x1024xf32, #tpu.memory_space<vmem>>, %arg5: memref<256x1024xf32, #tpu.memory_space<vmem>>, %arg6: memref<256x2xf32, #tpu.memory_space<vmem>>) attributes {dimension_semantics = [#tpu.dimension_semantics<arbitrary>], iteration_bounds = array<i64: 21>, scalar_prefetch = 0 : i64, scratch_operands = 0 : i64, tpu.core_type = #tpu.core_type<tc>, window_params = [{transform_indices = @transform_0, window_bounds = array<i64: 256, 1024>}, {pipeline_mode = #tpu.pipeline_mode<synchronous>, transform_indices = @transform_1, window_bounds = array<i64: 1024, 1024>}, {pipeline_mode = #tpu.pipeline_mode<synchronous>, transform_indices = @transform_2, window_bounds = array<i64: 1, 1024>}, {pipeline_mode = #tpu.pipeline_mode<synchronous>, transform_indices = @transform_3, window_bounds = array<i64: 1, 1024>}, {transform_indices = @transform_4, window_bounds = array<i64: 256, 1024>}, {transform_indices = @transform_5, window_bounds = array<i64: 256, 2>}]} {
    %get3A = arith.constant 0 : index
    %get3A_0 = arith.constant 0 : index
    %get3A_1 = vector.load %arg1[%get3A, %get3A_0] : memref<256x1024xf32, #tpu.memory_space<vmem>>, vector<256x1024xf32>
    %mul3A = arith.constant 256 : i32
    %mul3A_2 = arith.muli %arg0, %mul3A : i32
    %iota3A = tpu.iota {dimensions = array<i32: 0>} : vector<256x1xi32>
    %add3A = vector.broadcast %mul3A_2 : i32 to vector<256x1xi32>
    %add3A_3 = arith.addi %add3A, %iota3A : vector<256x1xi32>
    %eq3A = arith.constant 1 : i32
    %eq3A_4 = vector.broadcast %eq3A : i32 to vector<256x1xi32>
    %eq3A_5 = arith.cmpi eq, %add3A_3, %eq3A_4 : vector<256x1xi32>
    %get3A_6 = arith.constant 0 : index
    %get3A_7 = arith.constant 0 : index
    %get3A_8 = vector.load %arg3[%get3A_6, %get3A_7] : memref<1x1024xf32, #tpu.memory_space<vmem>>, vector<1x1024xf32>
    %jit3A = arith.constant 1.000000e+00 : f32
    %broadcast_in_dim3A = vector.shape_cast %eq3A_5 : vector<256x1xi1> to vector<256x1xi1>
    %broadcast_in_dim3A_9 = vector.broadcast %broadcast_in_dim3A : vector<256x1xi1> to vector<256x1024xi1>
    %broadcast_in_dim3A_10 = vector.broadcast %jit3A : f32 to vector<256x1024xf32>
    %broadcast_in_dim3A_11 = vector.shape_cast %get3A_8 : vector<1x1024xf32> to vector<1x1024xf32>
    %broadcast_in_dim3A_12 = vector.broadcast %broadcast_in_dim3A_11 : vector<1x1024xf32> to vector<256x1024xf32>
    %select_n3A = arith.select %broadcast_in_dim3A_9, %broadcast_in_dim3A_10, %broadcast_in_dim3A_12 : vector<256x1024xi1>, vector<256x1024xf32>
    %mul3A_13 = arith.mulf %get3A_1, %select_n3A : vector<256x1024xf32>
    %get3A_14 = arith.constant 0 : index
    %get3A_15 = arith.constant 0 : index
    %get3A_16 = vector.load %arg2[%get3A_14, %get3A_15] : memref<1024x1024xf32, #tpu.memory_space<vmem>>, vector<1024x1024xf32>
    %dot_general3A = arith.constant dense<0.000000e+00> : vector<256x1024xf32>
    %dot_general3A_17 = tpu.matmul %mul3A_13, %get3A_16, %dot_general3A {dimension_numbers = #tpu.dot_dimension_numbers<[1], [1], [0], [0], [0, 0, 1, 0], [], []>, transpose_lhs_hint = false} : vector<256x1024xf32>, vector<1024x1024xf32>, vector<256x1024xf32> -> vector<256x1024xf32>
    %eq3A_18 = arith.constant 1 : i32
    %eq3A_19 = vector.broadcast %eq3A_18 : i32 to vector<256x1xi32>
    %eq3A_20 = arith.cmpi eq, %add3A_3, %eq3A_19 : vector<256x1xi32>
    %get3A_21 = arith.constant 0 : index
    %get3A_22 = arith.constant 0 : index
    %get3A_23 = vector.load %arg4[%get3A_21, %get3A_22] : memref<1x1024xf32, #tpu.memory_space<vmem>>, vector<1x1024xf32>
    %jit3A_24 = arith.constant 0.000000e+00 : f32
    %broadcast_in_dim3A_25 = vector.shape_cast %eq3A_20 : vector<256x1xi1> to vector<256x1xi1>
    %broadcast_in_dim3A_26 = vector.broadcast %broadcast_in_dim3A_25 : vector<256x1xi1> to vector<256x1024xi1>
    %broadcast_in_dim3A_27 = vector.shape_cast %get3A_23 : vector<1x1024xf32> to vector<1x1024xf32>
    %broadcast_in_dim3A_28 = vector.broadcast %broadcast_in_dim3A_27 : vector<1x1024xf32> to vector<256x1024xf32>
    %broadcast_in_dim3A_29 = vector.broadcast %jit3A_24 : f32 to vector<256x1024xf32>
    %select_n3A_30 = arith.select %broadcast_in_dim3A_26, %broadcast_in_dim3A_28, %broadcast_in_dim3A_29 : vector<256x1024xi1>, vector<256x1024xf32>
    %add3A_31 = arith.addf %dot_general3A_17, %select_n3A_30 : vector<256x1024xf32>
    %swap3A = arith.constant 0 : index
    %swap3A_32 = arith.constant 0 : index
    %swap3A_33 = vector.load %arg5[%swap3A, %swap3A_32] : memref<256x1024xf32, #tpu.memory_space<vmem>>, vector<256x1024xf32>
    tpu.vector_store %arg5[%swap3A, %swap3A_32], %add3A_31 {strides = array<i32>} : memref<256x1024xf32, #tpu.memory_space<vmem>>, vector<256x1024xf32>,
    %reduce_sum3A = arith.constant dense<0.000000e+00> : vector<256xf32>
    %reduce_sum3A_34 = vector.multi_reduction <add>, %get3A_1, %reduce_sum3A [1] : vector<256x1024xf32> to vector<256xf32>
    %broadcast_in_dim3A_35 = vector.shape_cast %reduce_sum3A_34 : vector<256xf32> to vector<256x1xf32>
    %div3A = arith.constant 1.024000e+03 : f32
    %div3A_36 = vector.broadcast %div3A : f32 to vector<256x1xf32>
    %div3A_37 = arith.divf %broadcast_in_dim3A_35, %div3A_36 : vector<256x1xf32>
    %mul3A_38 = arith.mulf %get3A_1, %get3A_1 : vector<256x1024xf32>
    %reduce_sum3A_39 = arith.constant dense<0.000000e+00> : vector<256xf32>
    %reduce_sum3A_40 = vector.multi_reduction <add>, %mul3A_38, %reduce_sum3A_39 [1] : vector<256x1024xf32> to vector<256xf32>
    %broadcast_in_dim3A_41 = vector.shape_cast %reduce_sum3A_40 : vector<256xf32> to vector<256x1xf32>
    %div3A_42 = arith.constant 1.024000e+03 : f32
    %div3A_43 = vector.broadcast %div3A_42 : f32 to vector<256x1xf32>
    %div3A_44 = arith.divf %broadcast_in_dim3A_41, %div3A_43 : vector<256x1xf32>
    %concatenate3A = tpu.concatenate %div3A_37, %div3A_44 in 1 : vector<256x1xf32>, vector<256x1xf32> -> vector<256x2xf32>
    %swap3A_45 = arith.constant 0 : index
    %swap3A_46 = arith.constant 0 : index
    %swap3A_47 = vector.load %arg6[%swap3A_45, %swap3A_46] : memref<256x2xf32, #tpu.memory_space<vmem>>, vector<256x2xf32>
    tpu.vector_store %arg6[%swap3A_45, %swap3A_46], %concatenate3A {strides = array<i32>} : memref<256x2xf32, #tpu.memory_space<vmem>>, vector<256x2xf32>,
    return
  }
  func.func @transform_0(%arg0: i32) -> (i32, i32) {
    %c0_i32 = arith.constant 0 : i32
    %c0_i32_0 = arith.constant 0 : i32
    return %arg0, %c0_i32 : i32, i32
  }
  func.func @transform_1(%arg0: i32) -> (i32, i32) {
    %c0_i32 = arith.constant 0 : i32
    %c0_i32_0 = arith.constant 0 : i32
    %c0_i32_1 = arith.constant 0 : i32
    return %c0_i32, %c0_i32_0 : i32, i32
  }
  func.func @transform_2(%arg0: i32) -> (i32, i32) {
    %c0_i32 = arith.constant 0 : i32
    %c0_i32_0 = arith.constant 0 : i32
    %c0_i32_1 = arith.constant 0 : i32
    return %c0_i32, %c0_i32_0 : i32, i32
  }
  func.func @transform_3(%arg0: i32) -> (i32, i32) {
    %c0_i32 = arith.constant 0 : i32
    %c0_i32_0 = arith.constant 0 : i32
    %c0_i32_1 = arith.constant 0 : i32
    return %c0_i32, %c0_i32_0 : i32, i32
  }
  func.func @transform_4(%arg0: i32) -> (i32, i32) {
    %c0_i32 = arith.constant 0 : i32
    %c0_i32_0 = arith.constant 0 : i32
    return %arg0, %c0_i32 : i32, i32
  }
  func.func @transform_5(%arg0: i32) -> (i32, i32) {
    %c0_i32 = arith.constant 0 : i32
    %c0_i32_0 = arith.constant 0 : i32
    return %arg0, %c0_i32 : i32, i32
  }
}

</mosaic_0001>

<sc_bundles>
// kernel: kernel.5.cloned.1.call-start
scs
__scs_entry_jumppad:
0x0: {  	(pc) =	sbr.rel $0x88, $3  }
0x1: {  	(tag) =	ssettag $0x0;
	lr =	simm.s32 $0x1  }
0x2: {  	[smem:$0x3F9A] =	sst lr;
	_ =	strace $0xD0000000  }
0x3: {  	_ = 	snop  }
0x4: {  	_ = 	snop  }
0x5: {  	_ = 	snop  }
0x6: {  	_ = 	snop  }
0x7: {  	_ = 	snop  }
__scs_overlays_trampoline_lowered:
0x8: {  	[smem:$0x3FA9] =	sst s0  }
0x9: {  	[smem:$0x3FAA] =	sst s1  }
0xa: {  	[smem:$0x3FAB] =	sst s2  }
0xb: {  	[smem:$0x3FAC] =	sst s3  }
0xc: {  	[smem:$0x3FAD] =	sst s4  }
0xd: {  	[smem:$0x3FAE] =	sst s5  }
0xe: {  	[smem:$0x3FAF] =	sst s6  }
0xf: {  	[smem:$0x3FB0] =	sst s7  }
0x10: {  	[smem:$0x3FB1] =	sst s8  }
0x11: {  	[smem:$0x3FB2] =	sst s9;
	s0 =	simm.s32 @!p0 $0x0  }
0x12: {  	s1 =	sld [smem:$0x3F98];
	s0 =	simm.s32 @p0 $0x1  }
0x13: {  	[smem:$0x3FB3] =	sst s0;
	s0 =	simm.s32 @!p1 $0x0  }
0x14: {  	s2 =	sld [smem:$0x3F97];
	s0 =	simm.s32 @p1 $0x1  }
0x15: {  	[smem:$0x3FB4] =	sst s0;
	s0 =	simm.s32 @!p2 $0x0  }
0x16: {  	s3 =	sld [smem:$0x3FDB];
	s0 =	simm.s32 @p2 $0x1  }
0x17: {  	s4 =	simm.s32 $0x1BF5;
	[smem:$0x3FB6] =	sst s0  }
0x18: {  	s0 =	sld [smem:$0x3F99];
	_ =	swait.ge [sflag:s4], $0x0  }
0x19: {  	s7 =	sld [smem:$0x3F9A]  }
0x1a: {  	s8 =	sadd.s32 $0xFFFFE003, lr  }
0x1b: {  	s9 =	sadd.s32 $0xFFFFFEF7, lr;
	s5 =	simm.s32 $0xFFFFFFFF;
	p2 =	slt.u32 s8, $0xFFFFF086  }
0x1c: {  	p1 =	slt.u32 s9, $0xF7A;
	s5 =	simm.s32 @!p2 $0x0  }
0x1d: {  	s5 =	simm.s32 @p1 $0x1;
	p0 =	seq.s32 s7, s2  }
0x1e: {  	s7 =	smul.u32 @!p0 $0xF7A, s2;
	p2 =	seq.s32 @!p0 s5, $0x0  }
0x1f: {  	s9 =	smul.u32 $0xF7A, s1;
	s8 =	simm.s32 @!p0 $0x1BF5;
	p2 =	por !p2, p0  }
0x20: {  	[sflag:s8] =	ssyncset.s32 @!p0 $0xFFFFF086;
	s6 =	sadd.s32 @!p0 s3, s7;
	s7 =	simm.s32 @!p0 $0x108  }
0x21: {  	s3 =	sadd.s32 s3, s9;
	s6 =	sadd.s32 @!p0 $0x88, s6;
	s7 =	simm.s32 @p2 $0x1082  }
0x22: {  	[simem:s7], [sflag:s8] =	dma.local @!p0 [hbm:s6], $0xF7A  }
0x23: {  	s9 =	sor.u32 $0xD0000000, s2;
	s6 =	simm.s32 $0x108;
	_ =	swait.ge @!p0 [sflag:s8], $0x0  }
0x24: {  	s3 =	sadd.s32 $0x88, s3;
	s6 =	simm.s32 @!p1 $0x1082;
	[sflag:s4] =	ssyncset.s32 $0xFFFFF086  }
0x25: {  	[simem:s6], [sflag:s4] =	dma.local [hbm:s3], $0xF7A  }
0x26: {  	[smem:$0x3F9A] =	sst s1;
	(tag) =	ssettag s2;
	_ =	strace s9  }
0x27: {  	s1 =	sld [smem:$0x3FAA]  }
0x28: {  	s2 =	sld [smem:$0x3FAB]  }
0x29: {  	s4 =	sld [smem:$0x3FAD]  }
0x2a: {  	p0 =	seq.s32 s5, $0x0;
	s5 =	sld [smem:$0x3FAE]  }
0x2b: {  	s6 =	sld [smem:$0x3FAF]  }
0x2c: {  	s7 =	sld [smem:$0x3FB0]  }
0x2d: {  	s3 =	simm.s32 $0x108;
	s8 =	sld [smem:$0x3FB1]  }
0x2e: {  	s3 =	simm.s32 @!p0 $0x1082;
	s9 =	sld [smem:$0x3FB2]  }
0x2f: {  	lr =	sadd.s32 s0, s3;
	s0 =	sld [smem:$0x3FA9]  }
0x30: {  	s3 =	sld [smem:$0x3FAC]  }
0x31: {  	[smem:$0x3FB5] =	sst s10  }
0x32: {  	s10 =	sld [smem:$0x3FB3];
	_ =	sdelay $0x3  }
0x33: {  	p0 =	seq.s32 s10, $0x1;
	s10 =	sld [smem:$0x3FB5];
	_ =	sdelay $0x3  }
0x34: {  	[smem:$0x3FB5] =	sst s10  }
0x35: {  	s10 =	sld [smem:$0x3FB4];
	_ =	sdelay $0x3  }
0x36: {  	p1 =	seq.s32 s10, $0x1;
	s10 =	sld [smem:$0x3FB5];
	_ =	sdelay $0x3  }
0x37: {  	[smem:$0x3FB5] =	sst s10  }
0x38: {  	s10 =	sld [smem:$0x3FB6]  }
0x39: {  	_ = 	snop;
	(pc) =	sbr.ind lr, $3  }
0x3a: {  	_ = 	snop  }
0x3b: {  	_ = 	snop  }
0x3c: {  	p2 =	seq.s32 s10, $0x1;
	s10 =	sld [smem:$0x3FB5]  }
0x3d: {  	_ =	shalt  }
0x3e: {  	_ =	shalt  }
0x3f: {  	_ =	shalt  }
0x40: {  	_ =	shalt  }
0x41: {  	_ =	shalt  }
0x42: {  	_ =	shalt  }
0x43: {  	_ =	shalt  }
0x44: {  	_ =	shalt  }
0x45: {  	_ =	shalt  }
0x46: {  	_ =	shalt  }
0x47: {  	_ =	shalt  }
0x48: {  	_ =	shalt  }
0x49: {  	_ =	shalt  }
0x4a: {  	_ =	shalt  }
0x4b: {  	_ =	shalt  }
0x4c: {  	_ =	shalt  }
0x4d: {  	_ =	shalt  }
0x4e: {  	_ =	shalt  }
0x4f: {  	_ =	shalt  }
0x50: {  	_ =	shalt  }
0x51: {  	_ =	shalt  }
0x52: {  	_ =	shalt  }
0x53: {  	_ =	shalt  }
0x54: {  	_ =	shalt  }
0x55: {  	_ =	shalt  }
0x56: {  	_ =	shalt  }
0x57: {  	_ =	shalt  }
0x58: {  	_ =	shalt  }
0x59: {  	_ =	shalt  }
0x5a: {  	_ =	shalt  }
0x5b: {  	_ =	shalt  }
0x5c: {  	_ =	shalt  }
0x5d: {  	_ =	shalt  }
0x5e: {  	_ =	shalt  }
0x5f: {  	_ =	shalt  }
0x60: {  	_ =	shalt  }
0x61: {  	_ =	shalt  }
0x62: {  	_ =	shalt  }
0x63: {  	_ =	shalt  }
0x64: {  	_ =	shalt  }
0x65: {  	_ =	shalt  }
0x66: {  	_ =	shalt  }
0x67: {  	_ =	shalt  }
0x68: {  	_ =	shalt  }
0x69: {  	_ =	shalt  }
0x6a: {  	_ =	shalt  }
0x6b: {  	_ =	shalt  }
0x6c: {  	_ =	shalt  }
0x6d: {  	_ =	shalt  }
0x6e: {  	_ =	shalt  }
0x6f: {  	_ =	shalt  }
0x70: {  	_ =	shalt  }
0x71: {  	_ =	shalt  }
0x72: {  	_ =	shalt  }
0x73: {  	_ =	shalt  }
0x74: {  	_ =	shalt  }
0x75: {  	_ =	shalt  }
0x76: {  	_ =	shalt  }
0x77: {  	_ =	shalt  }
0x78: {  	_ =	shalt  }
0x79: {  	_ =	shalt  }
0x7a: {  	_ =	shalt  }
0x7b: {  	_ =	shalt  }
0x7c: {  	_ =	shalt  }
0x7d: {  	_ =	shalt  }
0x7e: {  	_ =	shalt  }
0x7f: {  	_ =	shalt  }
0x80: {  	_ =	shalt  }
0x81: {  	_ =	shalt  }
0x82: {  	_ =	shalt  }
0x83: {  	_ =	shalt  }
0x84: {  	_ =	shalt  }
0x85: {  	_ =	shalt  }
0x86: {  	_ =	shalt  }
0x87: {  	_ =	shalt  }
.Lfunc_end0:
.L_simem_size_0:
called_computation.1_lowered:
.L_overlay_start_0:
0x88: {  	s2 =	sld [smem:$0x3FD9]  }
0x89: {  	s3 =	sld [smem:$0x3FFE];
	_ =	sdelay $0x1  }
0x8a: {  	s1 =	srdreg.scid  }
0x8b: {  	s0 =	sand.u32 $0x1, s1  }
0x8c: {  	s17 =	sshll.u32 s0, $0xA;
	s2 =	sadd.s32 s3, s2  }
0x8d: {  	s2 =	sadd.s32 s2, s17  }
0x8e: {  	[smem:$0x3FC1] =	sst s2  }
0x8f: {  	_ = 	snop  }
0x90: {  	s2 =	sld [smem:$0x3FD0];
	(tm) =	ssettm $0x1  }
0x91: {  	s18 =	sld [smem:$0x3FFB];
	_ =	sdelay $0x3  }
0x92: {  	_ =	strace s18  }
0x93: {  	s3 =	sld [smem:$0x3FFC];
	_ =	sdelay $0x3  }
0x94: {  	_ =	strace s3  }
0x95: {  	s3 =	sld [smem:$0x3FFD];
	_ =	sdelay $0x3  }
0x96: {  	_ =	strace s3  }
0x97: {  	_ =	strace $0x8FFFFFFF  }
0x98: {  	s19 =	sld [smem:$0x3FDB];
	_ =	sdelay $0x1  }
0x99: {  	s4 =	simm.s32 $_scs_section_size  }
0x9a: {  	s5 =	simm.s32 $_size__tile_overlayer_lowered;
	s6 =	simm.s32 $_tile_overlayer_lowered  }
0x9b: {  	s22 =	simm.s32 $0x1BFF;
	s21 =	sshll.u32 s6, $0x1;
	s3 =	sadd.s32 s4, s19  }
0x9c: {  	s7 =	simm.s32 $0x0;
	s20 =	sshll.u32 s5, $0x1;
	s5 =	sadd.s32 s21, s3  }
0x9d: {  	[timem:s7], [sflag:s22] =	dma.local [hbm:s5], s20  }
0x9e: {  	_ =	swait.ge [sflag:s22], s20  }
0x9f: {  	s4 =	ssub.s32 $0x0, s20;
	[sflag:s22] =	ssyncset.done $0x0  }
0xa0: {  	[sflag:s22] =	ssyncadd.s32 s4;
	_ =	sdelay $0x1  }
0xa1: {  	s23 =	simm.s32 $0x1B8B  }
0xa2: {  	_ =	swait.ge [sflag:s23], $0x1  }
0xa3: {  	[sflag:s23] =	ssyncset.done $0x0  }
0xa4: {  	s25 =	simm.s32 $0x1B8E;
	s24 =	sld [smem:$0x3FFE];
	[sflag:s23] =	ssyncadd.s32 $0xFFFFFFFF  }
0xa5: {  	s26 =	simm.s32 $execute0_lowered;
	[smem:$0x3FD2] =	sst s25  }
0xa6: {  	s5 =	sshll.u32 s26, $0x1;
	_ =	strace $0x80000046;
	[dreg:$0x1] =	wrdreg $0xFFFFFFFF  }
0xa7: {  	s28 =	simm.s32 $_size_execute0_lowered;
	s3 =	sadd.s32 s3, s5;
	[dreg:$0x0] =	wrdreg $0x0  }
0xa8: {  	s5 =	sshll.u32 s28, $0x1;
	[dreg:$0x2] =	wrdreg s3  }
0xa9: {  	[dreg:$0x3] =	wrdreg s5  }
0xaa: {  	[dreg:$0x4] =	wrdreg $0xC0  }
0xab: {  	_ =	task [dreg:s7], $0x5FFFF  }
0xac: {  	[dreg:$0x1] =	wrdreg $0xFFFFFFFF  }
0xad: {  	[dreg:$0x0] =	wrdreg $0x60  }
0xae: {  	[dreg:$0x2] =	wrdreg s24  }
0xaf: {  	[dreg:$0x3] =	wrdreg s2  }
0xb0: {  	[dreg:$0x4] =	wrdreg $0x9  }
0xb1: {  	_ =	task.clear_ibuf [dreg:s7], $0x5FFFF;
	_ =	strace $0x90000046  }
0xb2: {  	s29 =	simm.s32 $0x9;
	_ =	strace $0x80000048  }
0xb3: {  	_ =	swait.ge [sflag:s29], $0x1  }
0xb4: {  	[sflag:s29] =	ssyncadd.s32 $0xFFFFFFFF  }
0xb5: {  	_ =	strace $0x90000048  }
0xb6: {  	_ =	sfence  }
0xb7: {  	s30 =	sld [smem:$0x0];
	_ =	sdelay $0x2  }
0xb8: {  	s31 =	sshll.u32 s1, $0xD;
	s1 =	sshrl.u32 s1, $0x2  }
0xb9: {  	s3 =	sand.u32 $0x4000, s31;
	s1 =	sadd.s32 s1, s30  }
0xba: {  	s0 =	sor.u32 s3, s0;
	s1 =	sshll.u32 s1, $0x11  }
0xbb: {  	s0 =	sor.u32 s1, s0  }
0xbc: {  	s0 =	sadd.s32 $0x8F2B, s0  }
0xbd: {  	[sflag:s0] =	ssyncadd.remote.s32 $0x1  }
0xbe: {  	_ =	sfence.sel $0xFFFF  }
0xbf: {  	[dreg:$0x0] =	wrdreg $0xFFFFFFFF;
	(pc) =	sbr.abs _section_cstart, $3  }
0xc0: {  	[dreg:$0x1] =	wrdreg $0xFFFFFFFF  }
0xc1: {  	_ =	task.clear_ibuf [dreg:s7], $0x2FFFF;
	_ =	strace $0x9FFFFFFF  }
0xc2: {  	(tm) =	ssettm $0x7FFFFFFF  }
0xc3: {  	_ =	shalt  }
tec
execute0_lowered:
.L_overlay_start_1:
0x0: {  	(tag) =	ssettag $0x1  }
0x1: {  	s10 =	rddreg [dreg:$0x0]  }
0x2: {  	s1 =	rddreg [dreg:$0x1]  }
0x3: {  	s0 =	rddreg [dreg:$0x2]  }
0x4: {  	s2 =	simm.s32 $0x0;
	s6 =	srdreg.scid;
	s3 =	stileid.u32  }
0x5: {  	s13 =	simm.s32 $0x400;
	s14 =	simm.s32 $0x2440;
	s15 =	simm.s32 $0x2840  }
0x6: {  	s16 =	simm.s32 $0x10;
	s17 =	simm.s32 $0x3040;
	s18 =	simm.s32 $0x7040  }
0x7: {  	s19 =	simm.s32 $0x7840;
	s20 =	simm.s32 $0x1;
	s21 =	simm.s32 $0x8040  }
0x8: {  	s22 =	simm.s32 $0x0;
	s30 =	simm.s32 $0x0;
	[smem:$0x7FF] =	sst s2  }
0x9: {  	v0 =	vlaneseq.u32;
	s4 =	sadd.s32 $0x129A00, s10;
	s5 =	sadd.s32 $0x1A00, s10;
	s6 =	sand.u32 $0x1, s6  }
0xa: {  	s7 =	sshll.u32 s3, $0x8;
	v0 =	vshrl.u32 v0, $0x3;
	s8 =	sshll.u32 s6, $0x7;
	s9 =	ssub.s32 $0x2, s6  }
0xb: {  	_ =	strace $0x80000047;
	v1 =	vmul.u32 $0x400, v0;
	v0 =	vmul.u32 $0x8, v0;
	s7 =	sor.u32 s8, s7;
	s29 =	sshrl.u32 s9, $0x1  }
0xc: {  	s6 =	sadd.s32 $0x81A00, s10;
	s11 =	sadd.s32 s7, s10;
	s12 =	ssub.s32 s9, s29  }
0xd: {  	s31 =	sadd.s32 s7, s6;
	s10 =	sadd.s32 $0x149E00, s10;
	[tilespmem:$0x1FFE0] =	vst v0;
	v63 =	vadd.s32 $0xFFFFFFF8, v1;
	s8 =	sadd.s32 $0xA00, s11  }
0xe: {  	s9 =	sadd.s32 $0x408, s31;
	s11 =	smax.u32 s12, $0x1;
	s12 =	simm.s32 $0x2;
	[tilespmem:$0x1FFF0] =	vst v63  }
.LBB2_1:
0xf: {  	[tilespmem:s2], [sflag:$0x2] =	stream.linear.gather [hbm4b:s8+s2], $0x400, $0x38;
	[tilespmem:$0xBEC0] =	vst v63  }
0x10: {  	_ =	swait.ge [sflag:s12], $0x400  }
0x11: {  	[sflag:s12] =	ssyncset.done $0x0  }
0x12: {  	[sflag:s12] =	ssyncadd.s32 $0xFFFFFC00  }
0x13: {  	[tilespmem:s13], [sflag:$0x2] =	stream.linear.gather [hbm4b:s6+s2], $0x2040, $0x38;
	[tilespmem:$0xBEC0] =	vst v63  }
0x14: {  	_ =	swait.ge [sflag:s12], $0x2040  }
0x15: {  	[sflag:s12] =	ssyncset.done $0x0  }
0x16: {  	[sflag:s12] =	ssyncadd.s32 $0xFFFFDFC0  }
0x17: {  	[tilespmem:s14], [sflag:$0x2] =	stream.linear.gather [hbm4b:s9+s2], $0x400, $0x38;
	[tilespmem:$0xBEC0] =	vst v63  }
0x18: {  	_ =	swait.ge [sflag:s12], $0x400  }
0x19: {  	[sflag:s12] =	ssyncset.done $0x0  }
0x1a: {  	[sflag:s12] =	ssyncadd.s32 $0xFFFFFC00  }
0x1b: {  	[tilespmem:s15], [sflag:$0x2] =	stream.linear.gather [hbm4b:s4+s2], $0x800, $0x38;
	[tilespmem:$0xBEC0] =	vst v63  }
0x1c: {  	_ =	swait.ge [sflag:s12], $0x800  }
0x1d: {  	[sflag:s12] =	ssyncset.done $0x0  }
0x1e: {  	s23 =	simm.s32 $0x0;
	[sflag:s12] =	ssyncadd.s32 $0xFFFFF800  }
.LBB2_2:
0x1f: {  	s25 =	sshll.u32 s23, $0x1;
	s26 =	sshll.u32 s23, $0x4  }
0x20: {  	s24 =	sor.u32 s7, s25;
	s26 =	sand.u32 $0x3FFFFFF0, s26  }
0x21: {  	[tilespmem:s17], [sflag:$0x1] =	stream.indirect.gather [hbm4b:s4+s16], $0x400, s26, s16, $0xb8;
	[tilespmem:$0xBEC0] =	vst v63  }
0x22: {  	s28 =	sshll.u32 s24, $0x7  }
0x23: {  	s29 =	sadd.s32 s28, s10  }
0x24: {  	[tilespmem:s18], [sflag:$0x1] =	stream.linear.gather [hbm4b:s29+s30], $0x800, $0x38;
	[tilespmem:$0xBEC0] =	vst v63  }
0x25: {  	s28 =	sadd.s32 s5, s28  }
0x26: {  	[tilespmem:s19], [sflag:$0x1] =	stream.linear.gather [hbm4b:s28+s30], $0x800, $0x38;
	[tilespmem:$0xBEC0] =	vst v63  }
0x27: {  	_ =	swait.ge [sflag:s20], $0x4000  }
0x28: {  	[sflag:s20] =	ssyncset.done $0x0  }
0x29: {  	[sflag:s20] =	ssyncadd.s32 $0xFFFFC000  }
0x2a: {  	_ =	swait.ge [sflag:s20], $0x800  }
0x2b: {  	[sflag:s20] =	ssyncset.done $0x0  }
0x2c: {  	[sflag:s20] =	ssyncadd.s32 $0xFFFFF800  }
0x2d: {  	_ =	swait.ge [sflag:s20], $0x800  }
0x2e: {  	[sflag:s20] =	ssyncset.done $0x0  }
0x2f: {  	v0 =	vld [tilespmem:$0x1FFF0];
	[sflag:s20] =	ssyncadd.s32 $0xFFFFF800  }
0x30: {  	v2 =	vld [tilespmem:s26+$0x0];
	_ =	sdelay $0x4  }
0x31: {  	v3 =	vshll.u32 v2, $0x3;
	v2 =	vadd.s32 v0, v2;
	v0 =	vld [tilespmem:$0x1FFE0];
	_ =	sdelay $0x2  }
0x32: {  	v4 =	vmov s25  }
0x33: {  	v4 =	vshll.u32 v4, $0x3;
	v5 =	vor.u32 $0x1, v3  }
0x34: {  	v4 =	vor.u32 v0, v4;
	_ =	sdelay $0x1  }
0x35: {  	v3 =	vld.idx.msk [tilespmem:v3+s13+$0x0], $0xffff;
	v6 =	vor.u32 $0x1, v4  }
0x36: {  	v2 =	vld.idx.msk [tilespmem:v2+s19+$0x0], $0xffff  }
0x37: {  	v5 =	vld.idx.msk [tilespmem:v5+s13+$0x0], $0xffff  }
0x38: {  	v4 =	vld.idx.msk [tilespmem:v4+s14+$0x0], $0xffff;
	_ =	sdelay $0x1  }
0x39: {  	v6 =	vld.idx.msk [tilespmem:v6+s14+$0x0], $0xffff  }
0x3a: {  	v2 =	vmul.f32 $1.953125000e-03, v2;
	_ =	sdelay $0x1  }
0x3b: {  	v2 =	vadd.f32 v2, v5;
	v3 =	vadd.f32 v4, v3;
	_ =	sdelay $0x1  }
0x3c: {  	v2 =	vadd.f32 v2, v6;
	v4 =	vmul.f32 v3, v3;
	_ =	sdelay $0x1  }
0x3d: {  	v2 =	vsub.f32 v2, v4;
	_ =	sdelay $0x1  }
0x3e: {  	v2 =	vadd.f32 $9.999999740e-06, v2;
	_ =	sdelay $0x1  }
0x3f: {  	v4 =	vshra.s32 v2, $0x1;
	v2 =	vmul.f32 $5.000000000e-01, v2  }
0x40: {  	v4 =	vsub.s32 $0x5F3759DF, v4  }
0x41: {  	v5 =	vmul.f32 v4, v2;
	_ =	sdelay $0x1  }
0x42: {  	v5 =	vmul.f32 v4, v5;
	_ =	sdelay $0x1  }
0x43: {  	v5 =	vsub.f32 $1.500000000e+00, v5;
	_ =	sdelay $0x1  }
0x44: {  	v4 =	vmul.f32 v4, v5;
	_ =	sdelay $0x1  }
0x45: {  	v5 =	vmul.f32 v4, v2;
	_ =	sdelay $0x1  }
0x46: {  	v5 =	vmul.f32 v5, v4;
	_ =	sdelay $0x1  }
0x47: {  	v5 =	vsub.f32 $1.500000000e+00, v5;
	_ =	sdelay $0x1  }
0x48: {  	v4 =	vmul.f32 v5, v4;
	_ =	sdelay $0x1  }
0x49: {  	v5 =	vmul.f32 v4, v2;
	_ =	sdelay $0x1  }
0x4a: {  	v5 =	vmul.f32 v5, v4;
	_ =	sdelay $0x1  }
0x4b: {  	v5 =	vsub.f32 $1.500000000e+00, v5;
	_ =	sdelay $0x1  }
0x4c: {  	v4 =	vmul.f32 v5, v4;
	_ =	sdelay $0x1  }
0x4d: {  	v2 =	vmul.f32 v4, v2;
	_ =	sdelay $0x1  }
0x4e: {  	v2 =	vmul.f32 v2, v4;
	_ =	sdelay $0x1  }
0x4f: {  	v2 =	vsub.f32 $1.500000000e+00, v2;
	_ =	sdelay $0x1  }
0x50: {  	v3 =	vsub.f32 $0.0e+00, v3;
	v2 =	vmul.f32 v2, v4;
	_ =	sdelay $0x1  }
0x51: {  	v3 =	vmul.f32 v2, v3;
	v32 =	vbroadcast v2, $0x0  }
0x52: {  	v30 =	vbroadcast v2, $0x1;
	v28 =	vbroadcast v2, $0x2  }
0x53: {  	s25 =	simm.s32 $0x0;
	v26 =	vbroadcast v2, $0x3;
	v22 =	vbroadcast v2, $0x4  }
0x54: {  	v34 =	vld [tilespmem:s25+$0x6840];
	v24 =	vbroadcast v2, $0x5;
	v20 =	vbroadcast v2, $0x6  }
0x55: {  	v38 =	vld [tilespmem:s25+$0x4840];
	v18 =	vbroadcast v2, $0x7;
	v14 =	vbroadcast v2, $0x8  }
0x56: {  	v36 =	vld [tilespmem:s25+$0x5440];
	v16 =	vbroadcast v2, $0x9;
	v12 =	vbroadcast v2, $0xA  }
0x57: {  	v46 =	vld [tilespmem:s25+$0x7440];
	v10 =	vbroadcast v2, $0xB;
	v52 =	vbroadcast v2, $0xC  }
0x58: {  	v39 =	vld [tilespmem:s25+$0x5840];
	v7 =	vbroadcast v2, $0xD;
	v62 =	vbroadcast v2, $0xE  }
0x59: {  	v44 =	vld [tilespmem:s25+$0x3040];
	v1 =	vbroadcast v2, $0xF;
	v33 =	vbroadcast v3, $0x0  }
0x5a: {  	v41 =	vld [tilespmem:s25+$0x7040];
	v31 =	vbroadcast v3, $0x1;
	v29 =	vbroadcast v3, $0x2  }
0x5b: {  	v49 =	vld [tilespmem:s25+$0x5C40];
	v27 =	vbroadcast v3, $0x3;
	v23 =	vbroadcast v3, $0x4  }
0x5c: {  	v51 =	vld [tilespmem:s25+$0x3440];
	v50 =	vadd.f32 v36, v46;
	v25 =	vbroadcast v3, $0x5;
	v21 =	vbroadcast v3, $0x6  }
0x5d: {  	v35 =	vld [tilespmem:s25+$0x2840];
	v53 =	vadd.f32 v39, v46;
	v19 =	vbroadcast v3, $0x7;
	v15 =	vbroadcast v3, $0x8  }
0x5e: {  	v48 =	vld [tilespmem:s25+$0x5040];
	v54 =	vadd.f32 v34, v46;
	v17 =	vbroadcast v3, $0x9;
	v13 =	vbroadcast v3, $0xA  }
0x5f: {  	v57 =	vld [tilespmem:s25+$0x3840];
	v56 =	vadd.f32 v44, v41;
	v11 =	vbroadcast v3, $0xB;
	v9 =	vbroadcast v3, $0xC  }
0x60: {  	v61 =	vld [tilespmem:s25+$0x6C40];
	v49 =	vadd.f32 v49, v46;
	v4 =	vbroadcast v3, $0xD;
	v5 =	vbroadcast v3, $0xE  }
0x61: {  	v47 =	vld [tilespmem:s25+$0x3C40];
	v60 =	vadd.f32 v51, v41;
	v0 =	vbroadcast v3, $0xF;
	v58 =	vmul.f32 v50, v16  }
0x62: {  	v43 =	vld [tilespmem:s25+$0x6440];
	v45 =	vadd.f32 v38, v41;
	v38 =	vmul.f32 v53, v12;
	v54 =	vmul.f32 v54, v62  }
0x63: {  	v55 =	vld [tilespmem:s25+$0x6040];
	v48 =	vadd.f32 v48, v46;
	v50 =	vmul.f32 v49, v10;
	v60 =	vmul.f32 v60, v30  }
0x64: {  	v57 =	vadd.f32 v57, v41;
	v37 =	vmul.f32 v35, v19;
	v42 =	vmul.f32 v35, v11  }
0x65: {  	v61 =	vadd.f32 v61, v46;
	v2 =	vmul.f32 v35, v17;
	v40 =	vmul.f32 v35, v4  }
0x66: {  	v53 =	vadd.f32 v47, v41;
	v36 =	vmul.f32 v35, v21;
	v39 =	vmul.f32 v35, v0  }
0x67: {  	v34 =	vld [tilespmem:s25+$0x2C40];
	v47 =	vadd.f32 v43, v46;
	v43 =	vmul.f32 v35, v5;
	v59 =	vmul.f32 v35, v9  }
0x68: {  	v44 =	vmul.f32 v53, v26;
	v53 =	vadd.f32 v55, v46;
	v63 =	vmul.f32 v35, v33  }
0x69: {  	v8 =	vmov v4;
	[tilespmem:$0x1FFD0] =	vst v0;
	v51 =	vmul.f32 v35, v29;
	v0 =	vmul.f32 v35, v31  }
0x6a: {  	v6 =	vmovc v5;
	v4 =	vmovc v9;
	v58 =	vadd.f32 v58, v2;
	v9 =	vmov v52;
	v52 =	vmul.f32 v53, v52  }
0x6b: {  	v55 =	vld [tilespmem:s25+$0x4440];
	v46 =	vmul.f32 v48, v14;
	v5 =	vmovc v62;
	v62 =	vmul.f32 v56, v32;
	v49 =	vadd.f32 v54, v43  }
0x6c: {  	v53 =	vld [tilespmem:s25+$0x4040];
	v54 =	vmul.f32 v57, v28;
	v43 =	vadd.f32 v58, v34;
	v57 =	vadd.f32 v52, v59  }
0x6d: {  	s26 =	simm.s32 $0x40;
	v3 =	vmovc v1;
	v48 =	vmul.f32 v61, v1;
	v56 =	vld [tilespmem:s25+$0x4C40];
	v58 =	vadd.f32 v62, v63;
	v52 =	vadd.f32 v60, v0  }
.LBB2_3:
0x6e: {  	v42 =	vadd.f32 v50, v42  }
0x6f: {  	v49 =	vadd.f32 v49, v34;
	v57 =	vadd.f32 v57, v34  }
0x70: {  	v47 =	vmul.f32 v47, v7;
	v58 =	vadd.f32 v58, v34;
	v51 =	vadd.f32 v54, v51  }
0x71: {  	s28 =	sshra.s32 s26, $0x2;
	v1 =	vld [tilespmem:$0x1FFD0];
	v52 =	vadd.f32 v52, v34;
	v39 =	vadd.f32 v48, v39  }
0x72: {  	v45 =	vmul.f32 v45, v20;
	v59 =	vld [tilespmem:s28+$0x6840];
	v40 =	vadd.f32 v47, v40;
	v55 =	vadd.f32 v55, v41  }
0x73: {  	v63 =	vmul.f32 v35, v27;
	v61 =	vld [tilespmem:s28+$0x4840];
	v42 =	vadd.f32 v42, v34;
	[tilespmem:s25+$0xAF20] =	vst v57;
	v0 =	vadd.f32 v53, v41  }
0x74: {  	v53 =	vmul.f32 v35, v25;
	v62 =	vadd.f32 v56, v41;
	v54 =	vld [tilespmem:s28+$0x6440];
	[tilespmem:s25+$0x8040] =	vst v58;
	v55 =	vmul.f32 v55, v24  }
0x75: {  	v60 =	vmul.f32 v35, v23;
	v44 =	vadd.f32 v44, v63;
	v51 =	vadd.f32 v51, v34;
	v50 =	vld [tilespmem:s28+$0x2840]  }
0x76: {  	v45 =	vadd.f32 v45, v36;
	v56 =	vld [tilespmem:s28+$0x5840];
	v41 =	vmul.f32 v62, v18;
	v53 =	vadd.f32 v55, v53  }
0x77: {  	v63 =	vmul.f32 v35, v15;
	v57 =	vadd.f32 v40, v34;
	v44 =	vadd.f32 v44, v34;
	v55 =	vld [tilespmem:s28+$0x3040];
	[tilespmem:s25+$0x8810] =	vst v51  }
0x78: {  	v0 =	vmul.f32 v0, v22;
	v37 =	vadd.f32 v41, v37;
	v51 =	vld [tilespmem:s28+$0x5440];
	[tilespmem:s25+$0xB6F0] =	vst v49;
	v53 =	vadd.f32 v53, v34  }
0x79: {  	v46 =	vadd.f32 v46, v63;
	v63 =	vadd.f32 v45, v34;
	v62 =	vmul.f32 v35, v13;
	v58 =	vld [tilespmem:s28+$0x7440];
	[tilespmem:s25+$0x8428] =	vst v52  }
0x7a: {  	v0 =	vadd.f32 v0, v60;
	v60 =	vadd.f32 v37, v34;
	v41 =	vld [tilespmem:s28+$0x7040];
	[tilespmem:s25+$0x93C8] =	vst v53  }
0x7b: {  	v46 =	vadd.f32 v46, v34;
	v49 =	vadd.f32 v38, v62;
	v48 =	vld [tilespmem:s28+$0x5040];
	[tilespmem:s25+$0xAB38] =	vst v42  }
0x7c: {  	v37 =	vmul.f32 v50, v19;
	v0 =	vadd.f32 v0, v34;
	v52 =	vmul.f32 v50, v17;
	[tilespmem:s25+$0x9B98] =	vst v60  }
0x7d: {  	v40 =	vmul.f32 v50, v8;
	v36 =	vmul.f32 v50, v21;
	v35 =	vmov v50;
	v47 =	vld [tilespmem:s28+$0x3C40];
	[tilespmem:s25+$0xB308] =	vst v57  }
0x7e: {  	v42 =	vmul.f32 v50, v11;
	v2 =	vadd.f32 v51, v58;
	v60 =	vld [tilespmem:s28+$0x5C40];
	[tilespmem:s25+$0x8FE0] =	vst v0;
	v0 =	vadd.f32 v39, v34  }
0x7f: {  	v62 =	vadd.f32 v56, v58;
	v56 =	vadd.f32 v59, v58;
	v39 =	vmul.f32 v50, v1;
	v53 =	vld [tilespmem:s28+$0x3440];
	[tilespmem:s25+$0x8BF8] =	vst v44  }
0x80: {  	v51 =	vmul.f32 v35, v29;
	v45 =	vadd.f32 v61, v41;
	v61 =	vmul.f32 v35, v4;
	v57 =	vld [tilespmem:s28+$0x6040];
	[tilespmem:s25+$0xBAD8] =	vst v0  }
0x81: {  	v55 =	vadd.f32 v55, v41;
	v59 =	vmul.f32 v2, v16;
	v38 =	vmul.f32 v62, v12;
	v0 =	vld [tilespmem:s28+$0x3840];
	[tilespmem:s25+$0x97B0] =	vst v63  }
0x82: {  	v56 =	vmul.f32 v56, v5;
	v2 =	vmul.f32 v35, v33;
	[tilespmem:s25+$0xA368] =	vst v43;
	v43 =	vadd.f32 v49, v34  }
0x83: {  	v48 =	vadd.f32 v48, v58;
	v1 =	vmul.f32 v55, v32;
	v50 =	vadd.f32 v47, v41;
	v63 =	vld [tilespmem:s28+$0x6C40]  }
0x84: {  	v47 =	vadd.f32 v54, v58;
	v54 =	vmul.f32 v35, v6;
	v34 =	vld [tilespmem:s28+$0x2C40];
	v60 =	vadd.f32 v60, v58  }
0x85: {  	p0 =	sne.s32 s26, $0xF40;
	[tilespmem:s25+$0xA750] =	vst v43;
	v43 =	vadd.f32 v59, v52;
	v62 =	vadd.f32 v53, v41;
	v44 =	vmul.f32 v50, v26  }
.Ltmp0:
0x86: {  	v57 =	vadd.f32 v57, v58;
	v50 =	vmul.f32 v60, v10;
	v0 =	vadd.f32 v0, v41;
	(pc) =	sbr.rel @p0 .LBB2_3-.Ltmp0, $4  }
0x87: {  	[tilespmem:s25+$0x9F80] =	vst v46;
	s25 =	smov.u32 s28;
	v49 =	vadd.f32 v56, v54;
	v60 =	vmul.f32 v35, v31;
	v62 =	vmul.f32 v62, v30  }
0x88: {  	v53 =	vld [tilespmem:s25+$0x4040];
	v52 =	vmul.f32 v57, v9;
	v54 =	vmul.f32 v0, v28;
	v0 =	vadd.f32 v63, v58  }
0x89: {  	v46 =	vmul.f32 v48, v14;
	v55 =	vld [tilespmem:s25+$0x4440];
	v43 =	vadd.f32 v43, v34;
	v58 =	vadd.f32 v1, v2  }
0x8a: {  	s26 =	sadd.s32 $0x40, s26;
	v56 =	vld [tilespmem:s25+$0x4C40];
	v57 =	vadd.f32 v52, v61;
	v52 =	vadd.f32 v62, v60;
	v48 =	vmul.f32 v0, v3  }
0x8b: {  	v51 =	vadd.f32 v54, v51  }
0x8c: {  	v59 =	vadd.f32 v58, v34;
	v42 =	vadd.f32 v50, v42  }
0x8d: {  	v47 =	vmul.f32 v47, v7;
	[tilespmem:s25+$0xA368] =	vst v43;
	v2 =	vadd.f32 v57, v34;
	v39 =	vadd.f32 v48, v39  }
0x8e: {  	v1 =	vmul.f32 v35, v25;
	v61 =	vadd.f32 v53, v41;
	v63 =	vadd.f32 v51, v34;
	[tilespmem:s25+$0x8040] =	vst v59  }
0x8f: {  	v62 =	vmul.f32 v35, v23;
	v40 =	vadd.f32 v47, v40;
	v59 =	vadd.f32 v42, v34;
	[tilespmem:s25+$0xAF20] =	vst v2  }
0x90: {  	v0 =	vadd.f32 v55, v41;
	v55 =	vadd.f32 v49, v34;
	[tilespmem:s25+$0x8810] =	vst v63;
	v57 =	vmul.f32 v61, v22  }
0x91: {  	v60 =	vadd.f32 v56, v41;
	[tilespmem:s25+$0xAB38] =	vst v59;
	v40 =	vadd.f32 v40, v34;
	v61 =	vmul.f32 v35, v13  }
0x92: {  	v56 =	vadd.f32 v52, v34;
	v0 =	vmul.f32 v0, v24;
	[tilespmem:s25+$0xB6F0] =	vst v55;
	v2 =	vadd.f32 v57, v62  }
0x93: {  	v58 =	vmul.f32 v35, v27;
	v63 =	vadd.f32 v39, v34;
	[tilespmem:s25+$0xB308] =	vst v40;
	v40 =	vadd.f32 v38, v61  }
0x94: {  	v54 =	vmul.f32 v60, v18;
	[tilespmem:s25+$0x8428] =	vst v56;
	v0 =	vadd.f32 v0, v1;
	v2 =	vadd.f32 v2, v34  }
0x95: {  	v62 =	vmul.f32 v35, v15;
	[tilespmem:s25+$0xBAD8] =	vst v63;
	v1 =	vadd.f32 v44, v58;
	v42 =	vadd.f32 v40, v34  }
0x96: {  	v60 =	vmul.f32 v45, v20;
	v37 =	vadd.f32 v54, v37;
	v0 =	vadd.f32 v0, v34;
	[tilespmem:s25+$0x8FE0] =	vst v2  }
0x97: {  	v41 =	vadd.f32 v46, v62;
	v1 =	vadd.f32 v1, v34;
	[tilespmem:s25+$0xA750] =	vst v42  }
0x98: {  	v37 =	vadd.f32 v37, v34;
	[tilespmem:s25+$0x93C8] =	vst v0;
	v0 =	vadd.f32 v60, v36  }
0x99: {  	[tilespmem:s25+$0x8BF8] =	vst v1;
	v1 =	vadd.f32 v41, v34  }
0x9a: {  	[tilespmem:s25+$0x9B98] =	vst v37;
	v0 =	vadd.f32 v0, v34  }
0x9b: {  	[tilespmem:s25+$0x9F80] =	vst v1  }
0x9c: {  	[tilespmem:s25+$0x97B0] =	vst v0  }
0x9d: {  	v0 =	vld [tilespmem:$0x2C18]  }
0x9e: {  	v1 =	vld [tilespmem:$0x7418]  }
0x9f: {  	v2 =	vld [tilespmem:$0x3418]  }
0xa0: {  	v44 =	vld [tilespmem:$0x3818]  }
0xa1: {  	v45 =	vld [tilespmem:$0x3C18]  }
0xa2: {  	v46 =	vld [tilespmem:$0x4018]  }
0xa3: {  	v50 =	vld [tilespmem:$0x4418]  }
0xa4: {  	v53 =	vld [tilespmem:$0x4C18]  }
0xa5: {  	v57 =	vld [tilespmem:$0x7818]  }
0xa6: {  	v63 =	vld [tilespmem:$0x5418]  }
0xa7: {  	v36 =	vld [tilespmem:$0x6018];
	v2 =	vadd.f32 v2, v1;
	v34 =	vadd.f32 v44, v1  }
0xa8: {  	v42 =	vld [tilespmem:$0x6418];
	v47 =	vmul.f32 v0, v33;
	v48 =	vadd.f32 v45, v1;
	v31 =	vmul.f32 v0, v31  }
0xa9: {  	v51 =	vld [tilespmem:$0x4818];
	v49 =	vadd.f32 v46, v1;
	v29 =	vmul.f32 v0, v29;
	v52 =	vmul.f32 v0, v27  }
0xaa: {  	v54 =	vld [tilespmem:$0x5018];
	v56 =	vadd.f32 v50, v1;
	v59 =	vmul.f32 v0, v23;
	v60 =	vadd.f32 v53, v1  }
0xab: {  	v35 =	vld [tilespmem:$0x5C18];
	v62 =	vmul.f32 v0, v25;
	v21 =	vmul.f32 v0, v21;
	v39 =	vadd.f32 v63, v57  }
0xac: {  	v40 =	vmul.f32 v0, v15;
	v41 =	vadd.f32 v36, v57;
	v11 =	vmul.f32 v0, v11  }
0xad: {  	v50 =	vadd.f32 v42, v57;
	v2 =	vmul.f32 v2, v32;
	v30 =	vmul.f32 v34, v30  }
0xae: {  	v37 =	vld [tilespmem:$0x3018];
	v28 =	vmul.f32 v48, v28;
	v26 =	vmul.f32 v49, v26;
	v32 =	vadd.f32 v51, v1  }
0xaf: {  	v45 =	vld [tilespmem:$0x6818];
	v58 =	vmul.f32 v56, v22;
	v1 =	vadd.f32 v54, v1;
	v34 =	vmul.f32 v0, v19  }
0xb0: {  	v14 =	vmul.f32 v39, v14;
	v19 =	vadd.f32 v35, v57;
	v2 =	vadd.f32 v2, v47  }
0xb1: {  	v10 =	vmul.f32 v41, v10;
	v30 =	vadd.f32 v30, v31;
	v28 =	vadd.f32 v28, v29  }
0xb2: {  	v44 =	vmul.f32 v0, v13;
	v26 =	vadd.f32 v26, v52;
	v22 =	vadd.f32 v58, v59  }
0xb3: {  	v61 =	vmul.f32 v32, v24;
	v43 =	vadd.f32 v14, v40;
	v10 =	vadd.f32 v10, v11  }
0xb4: {  	v48 =	vld [tilespmem:$0x7018];
	v31 =	vmul.f32 v60, v20;
	v14 =	vadd.f32 v45, v57;
	v2 =	vadd.f32 v2, v37  }
0xb5: {  	v1 =	vmul.f32 v1, v18;
	v30 =	vadd.f32 v30, v37;
	v55 =	vadd.f32 v28, v37  }
0xb6: {  	v32 =	vld [tilespmem:$0x5818];
	v12 =	vmul.f32 v19, v12;
	v26 =	vadd.f32 v26, v37;
	v24 =	vadd.f32 v61, v62;
	[tilespmem:$0x8418] =	vst v2  }
0xb7: {  	v17 =	vmul.f32 v0, v17;
	v47 =	vld [tilespmem:$0x6C18];
	v22 =	vadd.f32 v22, v37;
	v20 =	vadd.f32 v31, v21;
	[tilespmem:$0x8800] =	vst v30  }
0xb8: {  	v51 =	vmul.f32 v50, v9;
	v1 =	vadd.f32 v1, v34;
	v12 =	vadd.f32 v12, v44;
	[tilespmem:$0x8BE8] =	vst v55  }
0xb9: {  	v52 =	vmul.f32 v0, v4;
	v10 =	vadd.f32 v10, v37;
	v56 =	vadd.f32 v48, v57;
	[tilespmem:$0x8FD0] =	vst v26  }
0xba: {  	v59 =	vmul.f32 v0, v6;
	v61 =	vld [tilespmem:$0x1FFD0];
	v24 =	vadd.f32 v24, v37;
	v38 =	vadd.f32 v20, v37;
	[tilespmem:$0x93B8] =	vst v22  }
0xbb: {  	v54 =	vmul.f32 v14, v7;
	v1 =	vadd.f32 v1, v37;
	[tilespmem:$0xAF10] =	vst v10;
	v23 =	vadd.f32 v32, v57  }
0xbc: {  	v2 =	vadd.f32 v43, v37;
	v55 =	vmul.f32 v0, v8;
	v53 =	vadd.f32 v47, v57;
	[tilespmem:$0x97A0] =	vst v24  }
0xbd: {  	v49 =	vadd.f32 v12, v37;
	v57 =	vadd.f32 v51, v52;
	[tilespmem:$0x9B88] =	vst v38;
	v16 =	vmul.f32 v23, v16  }
0xbe: {  	v60 =	vmul.f32 v56, v3;
	[tilespmem:$0x9F70] =	vst v1;
	v1 =	vadd.f32 v54, v55;
	v58 =	vmul.f32 v53, v5  }
0xbf: {  	[tilespmem:$0xA358] =	vst v2;
	v0 =	vmul.f32 v0, v61;
	v2 =	vadd.f32 v57, v37;
	v46 =	vadd.f32 v16, v17  }
0xc0: {  	[tilespmem:$0xAB28] =	vst v49;
	v1 =	vadd.f32 v1, v37;
	v62 =	vadd.f32 v58, v59  }
0xc1: {  	v0 =	vadd.f32 v60, v0;
	[tilespmem:$0xB2F8] =	vst v2;
	v15 =	vadd.f32 v46, v37  }
0xc2: {  	[tilespmem:$0xB6E0] =	vst v1;
	v63 =	vadd.f32 v62, v37  }
0xc3: {  	s24 =	smul.u32 $0x3E8, s24;
	s23 =	sadd.s32 $0x1, s23;
	v0 =	vadd.f32 v0, v37;
	[tilespmem:$0xA740] =	vst v15  }
0xc4: {  	p0 =	sne.s32 s23, $0x40;
	[tilespmem:$0xBAC8] =	vst v63  }
.Ltmp1:
0xc5: {  	s24 =	sadd.s32 s1, s24;
	[tilespmem:$0xBEB0] =	vst v0;
	(pc) =	sbr.rel @p0 .LBB2_2-.Ltmp1, $4  }
0xc6: {  	[hbm4b:s24+s2] =	stream.linear.scatter [tilespmem:s21], [sflag:$0x2], $0x3E80, $0x38;
	[tilespmem:$0xBEC0] =	vst v63  }
0xc7: {  	_ =	swait.ge [sflag:s12], $0x3E80  }
0xc8: {  	[sflag:s12] =	ssyncset.done $0x0  }
0xc9: {  	[sflag:s12] =	ssyncadd.s32 $0xFFFFC180  }
0xca: {  	s22 =	sadd.s32 $0x1, s22  }
0xcb: {  	p0 =	sne.s32 s22, s11  }
.Ltmp2:
0xcc: {  	_ = 	snop;
	(pc) =	sbr.rel @p0 .LBB2_1-.Ltmp2, $1  }
0xcd: {  	_ =	sdelay $0x3  }
0xce: {  	_ =	sfence.sel $0x180000  }
0xcf: {  	[bflag:$0x0] =	sbarrier.arrive $0xFFFF  }
0xd0: {  	p0 =	sne.s32 s3, $0x0;
	_ =	strace $0x90000047  }
0xd1: {  	s0 =	sadd.s32 @!p0 $0x100000, s0;
	[bflag:$0x2] =	sbarrier.arrive $0xFFFF  }
0xd2: {  	[sflag:s0] =	ssyncadd.tile.s32 @!p0 $0x1;
	_ =	shalt  }
.Lfunc_end2:
_tile_overlayer_lowered:
.L_overlay_start_2:
0xd3: {  	(tag) =	ssettag $0x2  }
0xd4: {  	s0 =	rddreg [dreg:$0x0];
	s2 =	stileid.u32  }
0xd5: {  	s1 =	rddreg [dreg:$0x1];
	p0 =	sne.s32 s2, $0x0  }
0xd6: {  	s3 =	rddreg [dreg:$0x2];
	[bflag:$0x3] =	sbarrier.arrive $0xFFFF;
	s2 =	simm.s32 @!p0 $0x1C02  }
0xd7: {  	[timem:s3], [sflag:s2] =	dma.local @!p0 [hbm:s0], s1  }
0xd8: {  	s0 =	simm.s32 @!p0 $0x2  }
0xd9: {  	_ =	swait.ge @!p0 [sflag:s0], s1  }
0xda: {  	s1 =	ssub.s32 @!p0 $0x0, s1;
	[sflag:s0] =	ssyncset.done @!p0 $0x0  }
0xdb: {  	[sflag:s0] =	ssyncadd.s32 @!p0 s1  }
0xdc: {  	[bflag:$0x3] =	sbarrier.arrive $0xFFFF  }
0xdd: {  	_ =	shalt  }

// kernel: sparse-core-data-format-call.cloned.1.call-start
scs
called_computation_lowered:
.L_overlay_start_0:
0x0: {  	s2 =	sld [smem:$0x3FD9]  }
0x1: {  	s3 =	sld [smem:$0x3FFE];
	_ =	sdelay $0x1  }
0x2: {  	s1 =	srdreg.scid  }
0x3: {  	s0 =	sand.u32 $0x1, s1  }
0x4: {  	s18 =	sshll.u32 s0, $0xA;
	s2 =	sadd.s32 s3, s2  }
0x5: {  	s2 =	sadd.s32 s2, s18  }
0x6: {  	[smem:$0x3FC1] =	sst s2  }
0x7: {  	_ = 	snop  }
0x8: {  	s2 =	sld [smem:$0x3FD0];
	(tm) =	ssettm $0x1  }
0x9: {  	s19 =	sld [smem:$0x3FFB];
	_ =	sdelay $0x3  }
0xa: {  	_ =	strace s19  }
0xb: {  	s3 =	sld [smem:$0x3FFC];
	_ =	sdelay $0x3  }
0xc: {  	_ =	strace s3  }
0xd: {  	s3 =	sld [smem:$0x3FFD];
	_ =	sdelay $0x3  }
0xe: {  	_ =	strace s3  }
0xf: {  	_ =	strace $0x8FFFFFFF  }
0x10: {  	s20 =	sld [smem:$0x3FDB];
	_ =	sdelay $0x1  }
0x11: {  	s4 =	simm.s32 $_scs_section_size  }
0x12: {  	s5 =	simm.s32 $_size__tile_overlayer_lowered;
	s6 =	simm.s32 $_tile_overlayer_lowered  }
0x13: {  	s23 =	simm.s32 $0x1BFF;
	s22 =	sshll.u32 s6, $0x1;
	s3 =	sadd.s32 s4, s20  }
0x14: {  	s7 =	simm.s32 $0x0;
	s21 =	sshll.u32 s5, $0x1;
	s5 =	sadd.s32 s22, s3  }
0x15: {  	[timem:s7], [sflag:s23] =	dma.local [hbm:s5], s21  }
0x16: {  	_ =	swait.ge [sflag:s23], s21  }
0x17: {  	s4 =	ssub.s32 $0x0, s21;
	[sflag:s23] =	ssyncset.done $0x0  }
0x18: {  	[sflag:s23] =	ssyncadd.s32 s4;
	_ =	sdelay $0x1  }
0x19: {  	s24 =	simm.s32 $0x1B8B  }
0x1a: {  	_ =	swait.ge [sflag:s24], $0x1  }
0x1b: {  	[sflag:s24] =	ssyncset.done $0x0  }
0x1c: {  	s26 =	simm.s32 $0x1B8E;
	s25 =	sld [smem:$0x3FFE];
	[sflag:s24] =	ssyncadd.s32 $0xFFFFFFFF  }
0x1d: {  	s27 =	simm.s32 $execute0_lowered;
	[smem:$0x3FD2] =	sst s26  }
0x1e: {  	s5 =	sshll.u32 s27, $0x1;
	_ =	strace $0x80000049;
	[dreg:$0x1] =	wrdreg $0xFFFFFFFF  }
0x1f: {  	s28 =	simm.s32 $_size_execute0_lowered;
	s3 =	sadd.s32 s3, s5;
	[dreg:$0x0] =	wrdreg $0x0  }
0x20: {  	s5 =	sshll.u32 s28, $0x1;
	[dreg:$0x2] =	wrdreg s3  }
0x21: {  	[dreg:$0x3] =	wrdreg s5  }
0x22: {  	[dreg:$0x4] =	wrdreg $0xC0  }
0x23: {  	_ =	task [dreg:s7], $0x5FFFF  }
0x24: {  	[dreg:$0x1] =	wrdreg $0xFFFFFFFF  }
0x25: {  	[dreg:$0x0] =	wrdreg $0x60  }
0x26: {  	[dreg:$0x2] =	wrdreg s25  }
0x27: {  	[dreg:$0x3] =	wrdreg s2  }
0x28: {  	[dreg:$0x4] =	wrdreg $0x9  }
0x29: {  	_ =	task.clear_ibuf [dreg:s7], $0x5FFFF;
	_ =	strace $0x90000049  }
0x2a: {  	s29 =	simm.s32 $0x9;
	_ =	strace $0x8000004B  }
0x2b: {  	_ =	swait.ge [sflag:s29], $0x1  }
0x2c: {  	[sflag:s29] =	ssyncadd.s32 $0xFFFFFFFF  }
0x2d: {  	_ =	strace $0x9000004B  }
0x2e: {  	_ =	sfence  }
0x2f: {  	s30 =	sld [smem:$0x0];
	_ =	sdelay $0x2  }
0x30: {  	s31 =	sshll.u32 s1, $0xD;
	s1 =	sshrl.u32 s1, $0x2  }
0x31: {  	s3 =	sand.u32 $0x4000, s31;
	s1 =	sadd.s32 s1, s30  }
0x32: {  	s0 =	sor.u32 s3, s0;
	s1 =	sshll.u32 s1, $0x11  }
0x33: {  	s0 =	sor.u32 s1, s0  }
0x34: {  	s0 =	sadd.s32 $0x8F2B, s0  }
0x35: {  	[sflag:s0] =	ssyncadd.remote.s32 $0x1  }
0x36: {  	_ =	sfence.sel $0xFFFF  }
0x37: {  	[dreg:$0x0] =	wrdreg $0xFFFFFFFF;
	(pc) =	sbr.abs _section_cstart, $3  }
0x38: {  	[dreg:$0x1] =	wrdreg $0xFFFFFFFF  }
0x39: {  	_ =	task.clear_ibuf [dreg:s7], $0x2FFFF;
	_ =	strace $0x9FFFFFFF  }
0x3a: {  	(tm) =	ssettm $0x7FFFFFFF  }
0x3b: {  	_ =	shalt  }
tec
execute0_lowered:
.L_overlay_start_1:
0x0: {  	(tag) =	ssettag $0x1  }
0x1: {  	s5 =	rddreg [dreg:$0x0]  }
0x2: {  	s0 =	srdreg.scid;
	s3 =	rddreg [dreg:$0x1];
	s7 =	simm.s32 $0x1  }
0x3: {  	s8 =	simm.s32 $0x2;
	s16 =	simm.s32 $0x0;
	s1 =	sshll.u32 s0, $0x4  }
0x4: {  	s18 =	simm.s32 $0x0;
	s0 =	stileid.u32;
	s1 =	sand.u32 $0x10, s1  }
0x5: {  	s17 =	simm.s32 $0x0;
	s9 =	simm.s32 $0x0;
	s1 =	sor.u32 s0, s1  }
0x6: {  	s10 =	simm.s32 $0x0;
	s11 =	simm.s32 $0x0;
	s2 =	sshll.u32 s1, $0x7  }
0x7: {  	s12 =	simm.s32 $0x0;
	s13 =	simm.s32 $0x0;
	s6 =	ssub.s32 $0x1000, s2  }
0x8: {  	s15 =	simm.s32 $0x0;
	s5 =	sadd.s32 $0xA00, s5;
	s4 =	sand.u32 $0xF80, s6  }
.Ltmp0:
0x9: {  	s1 =	rddreg [dreg:$0x2];
	p0 =	sne.s32 s4, $0x0;
	(pc) =	sbr.rel .LBB1_1-.Ltmp0, $4  }
0xa: {  	_ =	strace $0x8000004A;
	s6 =	sshrl.u32 s6, $0xC;
	s7 =	simm.s32 @!p0 $0x0  }
0xb: {  	s14 =	smov.u32 s2;
	s4 =	simm.s32 $0x1;
	s6 =	sadd.s32 s7, s6  }
0xc: {  	[sflag:s4] =	ssyncpa.u1 $0x0;
	p0 =	por $0x0, $0x0;
	s6 =	sshll.u32 s6, $0x6  }
0xd: {  	[sflag:s8] =	ssyncpa.u1 $0x0;
	s8 =	simm.s32 $0x8000;
	s7 =	sor.u32 $0x1, s6  }
.LBB1_4:
0xe: {  	s23 =	sshra.s32 s23, $0x2;
	s30 =	sshll.u32 s9, $0xC  }
0xf: {  	p1 =	sgt.s32 s10, $0x7;
	s24 =	smov.u32 s10;
	s25 =	sshra.s32 s10, $0x1F  }
0x10: {  	s26 =	sshll.u32 s11, $0x3;
	s28 =	smov.u32 s11;
	s29 =	sshra.s32 s11, $0x1F  }
0x11: {  	s22 =	sadd.s32 s23, s22;
	s24 =	simm.s32 @!p1 $0x7;
	s25 =	sand.u32 s25, s10  }
0x12: {  	s23 =	sand.u32 $0xFFFF8000, s30;
	s27 =	sand.u32 $0xFFFFFC00, s26;
	p1 =	sgt.s32 s9, $0x368  }
0x13: {  	s31 =	sand.u32 s29, s11;
	s29 =	sshll.u32 s9, $0x7;
	s30 =	sshra.s32 s9, $0x1F  }
0x14: {  	[tilespmem:s21+$0x2040 ss:$0x81] =	vst.msk $0xffff, v4;
	s24 =	ssub.s32 s24, s25;
	s23 =	sadd.s32 s27, s23;
	s27 =	smov.u32 s9  }
0x15: {  	[tilespmem:s21+$0x2850 ss:$0x81] =	vst.msk $0xffff, v3;
	s29 =	sand.u32 $0x380, s29;
	s25 =	sadd.s32 $0xFFFFFFF9, s24;
	s27 =	simm.s32 @!p1 $0x368  }
0x16: {  	v5 =	vld [tilespmem:s20+$0xFFFFFFD0];
	[tilespmem:s21+$0x3060 ss:$0x81] =	vst.msk $0xffff, v2;
	p1 =	sgt.s32 s11, $0xF80;
	s23 =	sshrl.u32 s23, $0xC;
	s24 =	ssub.s32 $0x8, s24  }
0x17: {  	v58 =	vld [tilespmem:s20+$0xFFFFFFE0];
	[tilespmem:s21+$0x0 ss:$0x81] =	vst.msk $0xffff, v1;
	s28 =	simm.s32 @!p1 $0xF80;
	p1 =	sgt.s32 s25, $0x0;
	s21 =	smulhi.u32 $0x418938, s23  }
0x18: {  	v59 =	vld [tilespmem:s20+$0xFFFFFFF0];
	s25 =	ssub.s32 s28, s31;
	s28 =	sand.u32 s30, s9;
	s24 =	simm.s32 @p1 $0x0  }
0x19: {  	v60 =	vld [tilespmem:s20+$0x0];
	s27 =	ssub.s32 s27, s28;
	s31 =	sadd.s32 $0xFFFFF080, s25;
	s25 =	ssub.s32 $0x1000, s25  }
0x1a: {  	v61 =	vld [tilespmem:s20+$0x10];
	[tilespmem:s22+$0x3870 ss:$0x81] =	vst.msk $0xffff, v0;
	s21 =	smul.u32 $0x3E8, s21;
	s28 =	sand.u32 $0x7, s11;
	p1 =	sgt.s32 s31, $0x7F  }
0x1b: {  	v62 =	vld [tilespmem:s20+$0x20];
	[tilespmem:s22+$0x810 ss:$0x81] =	vst.msk $0xffff, v5;
	s30 =	sadd.s32 $0xFFFFFC98, s27;
	s31 =	sand.u32 $0x78, s11;
	s25 =	simm.s32 @p1 $0x0  }
0x1c: {  	v63 =	vld [tilespmem:s20+$0xFFFFFFC0];
	[tilespmem:s22+$0x1020 ss:$0x81] =	vst.msk $0xffff, v58;
	p1 =	sgt.s32 s30, $0x7F;
	s30 =	sand.u32 $0xC00, s26;
	s24 =	smul.u32 s25, s24  }
0x1d: {  	[tilespmem:s22+$0x1830 ss:$0x81] =	vst.msk $0xffff, v59;
	s26 =	ssub.s32 $0x3E8, s27;
	s20 =	sor.u32 s31, s30;
	s31 =	smul.u32 $0x7D000, s10  }
0x1e: {  	[tilespmem:s22+$0x2040 ss:$0x81] =	vst.msk $0xffff, v60;
	s21 =	ssub.s32 s23, s21;
	s26 =	simm.s32 @p1 $0x0;
	s20 =	sor.u32 s29, s20  }
0x1f: {  	[tilespmem:s22+$0x2850 ss:$0x81] =	vst.msk $0xffff, v61;
	s26 =	smul.u32 s26, s24;
	s20 =	sshrl.u32 s20, $0x3;
	s27 =	sadd.s32 s3, s31  }
0x20: {  	[tilespmem:s22+$0x3060 ss:$0x81] =	vst.msk $0xffff, v62;
	s21 =	sshll.u32 s21, $0x9;
	s29 =	sshll.u32 s28, $0x12;
	s20 =	sadd.s32 s20, s27  }
0x21: {  	[tilespmem:s22+$0x0 ss:$0x81] =	vst.msk $0xffff, v63;
	s31 =	sor.u32 $0x400, s29;
	s30 =	sand.u32 $0x3FFFFFFF, s26;
	s20 =	sadd.s32 s21, s20  }
0x22: {  	[hbm4b:s20+s31] =	stream.strided.scatter [tilespmem:s19], [sflag:$0x2], s30, s8, s31, $0x20;
	[tilespmem:$0x10100] =	vst v63  }
.LBB1_5:
0x23: {  	p1 =	slt.u32 s15, $0x2  }
0x24: {  	p2 =	sgt.s32 @!p1 s18, $0x7  }
0x25: {  	s19 =	smov.u32 s18;
	s20 =	sshra.s32 @!p1 s18, $0x1F;
	p2 =	por !p2, p1  }
0x26: {  	s18 =	sand.u32 @!p1 s20, s18;
	s19 =	simm.s32 @p2 $0x7  }
0x27: {  	p3 =	sgt.s32 @!p1 s16, $0x368;
	s18 =	ssub.s32 @!p1 s19, s18  }
0x28: {  	p4 =	sgt.s32 @!p1 s17, $0xF80;
	s21 =	sshra.s32 @!p1 s17, $0x1F;
	s19 =	sadd.s32 @!p1 $0xFFFFFFF9, s18  }
0x29: {  	s20 =	smov.u32 s16;
	p2 =	sgt.s32 @!p1 s19, $0x0;
	s19 =	sshra.s32 @!p1 s16, $0x1F  }
0x2a: {  	p4 =	por !p4, p1;
	s16 =	sand.u32 @!p1 s19, s16;
	s19 =	smov.u32 s17  }
0x2b: {  	p3 =	por !p3, p1;
	s17 =	sand.u32 @!p1 s21, s17;
	s19 =	simm.s32 @p4 $0xF80  }
0x2c: {  	s20 =	simm.s32 @p3 $0x368;
	s18 =	ssub.s32 @!p1 $0x8, s18;
	s17 =	ssub.s32 @!p1 s19, s17  }
0x2d: {  	p2 =	por !p2, p1;
	s16 =	ssub.s32 @!p1 s20, s16;
	s20 =	sadd.s32 @!p1 $0xFFFFF080, s17  }
0x2e: {  	s18 =	simm.s32 @!p2 $0x0;
	p3 =	sgt.s32 @!p1 s20, $0x7F  }
0x2f: {  	s19 =	sadd.s32 @!p1 $0xFFFFFC98, s16;
	s17 =	ssub.s32 @!p1 $0x1000, s17;
	p3 =	por !p3, p1  }
0x30: {  	p2 =	sgt.s32 @!p1 s19, $0x7F;
	s19 =	sadd.s32 $0x80, s12;
	s17 =	simm.s32 @!p3 $0x0  }
0x31: {  	p3 =	sgt.s32 s19, $0x3E7;
	s17 =	smul.u32 @!p1 s17, s18;
	s18 =	simm.s32 $0x1  }
0x32: {  	s16 =	ssub.s32 @!p1 $0x3E8, s16;
	p2 =	por !p2, p1;
	s18 =	simm.s32 @!p3 $0x0  }
0x33: {  	s21 =	smov.u32 s14;
	s16 =	simm.s32 @!p2 $0x0;
	s20 =	sadd.s32 s18, s13  }
0x34: {  	s16 =	smul.u32 @!p1 s16, s17;
	s17 =	sadd.s32 $0x1000, s14;
	p2 =	sgt.s32 s20, $0x7  }
0x35: {  	p0 =	por !p0, !p0;
	s22 =	simm.s32 @!p1 $0x2;
	s21 =	smov.u32 @p2 s17  }
0x36: {  	s19 =	simm.s32 @p3 $0x0;
	s20 =	simm.s32 @p2 $0x0;
	p2 =	sgt.s32 s21, $0xFFF  }
0x37: {  	s18 =	smov.u32 s10;
	s21 =	smov.u32 @p2 s2;
	p2 =	sne.s32 s15, s7  }
.Ltmp1:
0x38: {  	s10 =	smov.u32 s13;
	s16 =	sand.u32 @!p1 $0x3FFFFFFF, s16;
	(pc) =	sbr.rel @!p2 .LBB1_6-.Ltmp1, $4  }
0x39: {  	s17 =	smov.u32 s11;
	s11 =	smov.u32 s14;
	_ =	swait.ge @!p1 [sflag:s22], s16  }
0x3a: {  	s23 =	ssub.s32 @!p1 $0x0, s16;
	s16 =	smov.u32 s9;
	s9 =	smov.u32 s12  }
0x3b: {  	s12 =	smov.u32 s19;
	s13 =	smov.u32 s20;
	[sflag:s22] =	ssyncset.done @!p1 $0x0  }
0x3c: {  	s15 =	sadd.s32 $0x1, s15;
	[sflag:s22] =	ssyncadd.s32 @!p1 s23;
	s14 =	smov.u32 s21  }
.LBB1_1:
0x3d: {  	p1 =	sge.u32 s15, s6  }
0x3e: {  	s31 =	sadd.s32 $0xFFFFFFFF, s15;
	s19 =	sxor.u32 @!p1 $0xFFFFFFFF, s15;
	s20 =	sshll.u32 @!p1 s13, $0x7  }
0x3f: {  	s21 =	sand.u32 @!p1 $0x78, s12;
	s22 =	sshll.u32 @!p1 s14, $0xA;
	s20 =	sand.u32 @!p1 $0x380, s20  }
0x40: {  	s22 =	sadd.s32 @!p1 s5, s22;
	s20 =	sor.u32 @!p1 s21, s20;
	s21 =	sand.u32 @!p1 $0x380, s12  }
0x41: {  	s19 =	sshll.u32 @!p1 s19, $0xE;
	s21 =	sadd.s32 @!p1 s21, s22;
	s22 =	sand.u32 @!p1 $0x7, s12  }
0x42: {  	s19 =	sand.u32 @!p1 $0x4000, s19;
	s20 =	sshrl.u32 @!p1 s20, $0x3;
	s22 =	sshll.u32 @!p1 s22, $0x12  }
0x43: {  	s20 =	sadd.s32 @!p1 s20, s21;
	s21 =	sor.u32 @!p1 $0x80, s22;
	s22 =	simm.s32 @!p1 $0x2000  }
0x44: {  	[tilespmem:s19], [sflag:$0x1] =	stream.strided.gather @!p1 [hbm4b:s20+s21], $0x4000, s22, s21, $0x38;
	[tilespmem:$0x10100] =	vst v63  }
0x45: {  	p1 =	sge.u32 s31, s6  }
.Ltmp2:
0x46: {  	_ = 	snop;
	(pc) =	sbr.rel @p1 .LBB1_5-.Ltmp2, $1  }
0x47: {  	_ =	sdelay $0x3  }
0x48: {  	s19 =	simm.s32 $0x1  }
0x49: {  	_ =	swait.ge [sflag:s4], $0x4000;
	s19 =	simm.s32 @!p0 $0x0  }
0x4a: {  	[sflag:s4] =	ssyncset.done $0x0;
	s20 =	sshll.u32 s19, $0xE  }
0x4b: {  	[sflag:s4] =	ssyncadd.s32 $0xFFFFC000;
	s20 =	sor.u32 $0x40, s20  }
0x4c: {  	s19 =	smul.u32 $0x10200, s19;
	v0 =	vld [tilespmem:s20+$0x30]  }
0x4d: {  	v1 =	vld [tilespmem:s20+$0xFFFFFFD0]  }
0x4e: {  	s19 =	sshrl.u32 s19, $0x2;
	v5 =	vld [tilespmem:s20+$0xFFFFFFE0]  }
0x4f: {  	v6 =	vld [tilespmem:s20+$0xFFFFFFF0];
	s22 =	sor.u32 $0x8000, s19  }
0x50: {  	s31 =	sand.u32 $0x1, s15;
	v4 =	vld [tilespmem:s20+$0x0];
	s21 =	sadd.s32 $0x0, s22  }
0x51: {  	v3 =	vld [tilespmem:s20+$0x10];
	s19 =	smul.u32 $0x10200, s31;
	[tilespmem:s21+$0x3870 ss:$0x81] =	vst.msk $0xffff, v0  }
0x52: {  	v2 =	vld [tilespmem:s20+$0x20];
	[tilespmem:s21+$0x810 ss:$0x81] =	vst.msk $0xffff, v1  }
0x53: {  	s19 =	sshrl.u32 s19, $0x2;
	v1 =	vld [tilespmem:s20+$0xFFFFFFC0];
	[tilespmem:s21+$0x1020 ss:$0x81] =	vst.msk $0xffff, v5;
	s20 =	sadd.s32 $0x80, s20  }
0x54: {  	s23 =	simm.s32 $0x4;
	s24 =	simm.s32 $0x8;
	s19 =	sor.u32 $0x8000, s19;
	[tilespmem:s21+$0x1830 ss:$0x81] =	vst.msk $0xffff, v6;
	v0 =	vld [tilespmem:s20+$0x30]  }
.LBB1_3:
0x55: {  	p1 =	sne.s32 s24, $0x1FC;
	v5 =	vld [tilespmem:s20+$0xFFFFFFD0];
	[tilespmem:s21+$0x2040 ss:$0x81] =	vst.msk $0xffff, v4  }
0x56: {  	v6 =	vld [tilespmem:s20+$0xFFFFFFE0];
	[tilespmem:s21+$0x2850 ss:$0x81] =	vst.msk $0xffff, v3  }
0x57: {  	s25 =	sshra.s32 s23, $0x2;
	s23 =	smov.u32 s24;
	v7 =	vld [tilespmem:s20+$0xFFFFFFF0];
	[tilespmem:s21+$0x3060 ss:$0x81] =	vst.msk $0xffff, v2  }
.Ltmp3:
0x58: {  	v4 =	vld [tilespmem:s20+$0x0];
	[tilespmem:s21+$0x0 ss:$0x81] =	vst.msk $0xffff, v1;
	s21 =	sadd.s32 s25, s22;
	(pc) =	sbr.rel @p1 .LBB1_3-.Ltmp3, $4  }
0x59: {  	v3 =	vld [tilespmem:s20+$0x10];
	[tilespmem:s21+$0x3870 ss:$0x81] =	vst.msk $0xffff, v0  }
0x5a: {  	[tilespmem:s21+$0x810 ss:$0x81] =	vst.msk $0xffff, v5;
	v2 =	vld [tilespmem:s20+$0x20]  }
0x5b: {  	v1 =	vld [tilespmem:s20+$0xFFFFFFC0];
	[tilespmem:s21+$0x1020 ss:$0x81] =	vst.msk $0xffff, v6;
	s20 =	sadd.s32 $0x80, s20  }
0x5c: {  	s24 =	sadd.s32 $0x4, s24;
	v0 =	vld [tilespmem:s20+$0x30];
	[tilespmem:s21+$0x1830 ss:$0x81] =	vst.msk $0xffff, v7  }
.Ltmp4:
0x5d: {  	_ = 	snop;
	(pc) =	sbr.rel .LBB1_4-.Ltmp4, $1  }
0x5e: {  	_ =	sdelay $0x3  }
.LBB1_6:
0x5f: {  	_ =	sfence.sel $0x180000  }
0x60: {  	s2 =	simm.s32 $0x1;
	[bflag:$0x0] =	sbarrier.arrive $0xFFFF  }
0x61: {  	s31 =	simm.s32 $0x2;
	[sflag:s2] =	ssyncpa.u1 $0x1  }
0x62: {  	[sflag:s31] =	ssyncpa.u1 $0x1  }
0x63: {  	p0 =	sne.s32 s0, $0x0;
	_ =	strace $0x9000004A  }
0x64: {  	s0 =	sadd.s32 @!p0 $0x100000, s1;
	[bflag:$0x2] =	sbarrier.arrive $0xFFFF  }
0x65: {  	[sflag:s0] =	ssyncadd.tile.s32 @!p0 $0x1;
	_ =	shalt  }
.Lfunc_end1:
_tile_overlayer_lowered:
.L_overlay_start_2:
0x66: {  	(tag) =	ssettag $0x2  }
0x67: {  	s0 =	rddreg [dreg:$0x0];
	s2 =	stileid.u32  }
0x68: {  	s1 =	rddreg [dreg:$0x1];
	p0 =	sne.s32 s2, $0x0  }
0x69: {  	s3 =	rddreg [dreg:$0x2];
	[bflag:$0x3] =	sbarrier.arrive $0xFFFF;
	s2 =	simm.s32 @!p0 $0x1C01  }
0x6a: {  	[timem:s3], [sflag:s2] =	dma.local @!p0 [hbm:s0], s1  }
0x6b: {  	s0 =	simm.s32 @!p0 $0x1  }
0x6c: {  	_ =	swait.ge @!p0 [sflag:s0], s1  }
0x6d: {  	s1 =	ssub.s32 @!p0 $0x0, s1;
	[sflag:s0] =	ssyncset.done @!p0 $0x0  }
0x6e: {  	[sflag:s0] =	ssyncadd.s32 @!p0 s1  }
0x6f: {  	[bflag:$0x3] =	sbarrier.arrive $0xFFFF  }
0x70: {  	_ =	shalt  }

</sc_bundles>
